<compile_context>
chip_gen: v7x
topology: tpu7x:2x2x1
jax: 0.10.2.dev20260603
libtpu: 0.0.44.dev20260713+nightly
codegen_flags: <defaults>
</compile_context>

<pallas_src>
import functools

import jax
import jax.numpy as jnp
from jax import lax
from jax.experimental import pallas as pl
from jax.experimental.pallas import tpu as pltpu
from jax.experimental.pallas import tpu_sc as plsc

_N = 10000
_E = 320000
_F_IN = 128
_H = 64
_G = 64
_C = 16

_NC = 2
_NS = 16
_NW = _NC * _NS
_CH = 128
_NCHUNK = 79
_EPAD = _NW * _CH * _NCHUNK
_ACC_ROWS = 10240
_ROWS_PER_SUB = _ACC_ROWS // _NS
_OUT_ROWS_PER_SUB = _N // _NS
_ZCOPIES = _ROWS_PER_SUB // _CH

_RB = 1000
_NBLK = _N // _RB


def _sc_segment_sum(y, src3, dst3):
    mesh = plsc.VectorSubcoreMesh(core_axis_name="c", subcore_axis_name="s")

    @functools.partial(
        pl.kernel,
        out_type=jax.ShapeDtypeStruct((_NC, _N, _H), jnp.float32),
        mesh=mesh,
        scratch_types=[
            pltpu.VMEM((_NCHUNK, _CH), jnp.int32),
            pltpu.VMEM((_NCHUNK, _CH), jnp.int32),
            pltpu.VMEM((_CH, _H), jnp.float32),
            pltpu.VMEM_SHARED((_ACC_ROWS, _H), jnp.float32),
            pltpu.SemaphoreType.DMA,
        ],
        compiler_params=pltpu.CompilerParams(use_tc_tiling_on_sc=False),
    )
    def k(y_hbm, src_hbm, dst_hbm, out_hbm, src_v, dst_v, rows_v, acc_sh, sem):
        cid = lax.axis_index("c")
        sid = lax.axis_index("s")
        wid = sid * _NC + cid

        zeros = jnp.zeros((16,), jnp.float32)

        def zrow(r, carry):
            for cc in range(_H // 16):
                rows_v[r, pl.ds(cc * 16, 16)] = zeros
            return carry

        lax.fori_loop(0, _CH, zrow, 0)
        for b in range(_ZCOPIES):
            pltpu.sync_copy(
                rows_v, acc_sh.at[pl.ds(sid * _ROWS_PER_SUB + b * _CH, _CH)]
            )

        pltpu.sync_copy(src_hbm.at[wid], src_v)
        pltpu.sync_copy(dst_hbm.at[wid], dst_v)
        plsc.subcore_barrier()

        def body(j, carry):
            pltpu.async_copy(y_hbm.at[src_v.at[j]], rows_v, sem).wait()
            pltpu.sync_copy(rows_v, acc_sh.at[dst_v.at[j]], add=True)
            return carry

        lax.fori_loop(0, _NCHUNK, body, 0)

        plsc.subcore_barrier()
        off = pl.multiple_of(sid * 624, 8)

        @pl.when(sid < _NS - 1)
        def _():
            pltpu.sync_copy(acc_sh.at[pl.ds(off, 624)],
                            out_hbm.at[cid, pl.ds(off, 624)])

        @pl.when(sid == _NS - 1)
        def _():
            pltpu.sync_copy(acc_sh.at[pl.ds(9360, 640)],
                            out_hbm.at[cid, pl.ds(9360, 640)])

    return k(y, src3, dst3)


def _tc_pre(x, w_rel, w_root):

    def body(x_ref, wa_ref, wb_ref, y_ref, r_ref):
        xb = x_ref[...]
        y_ref[...] = jnp.dot(xb, wa_ref[...], preferred_element_type=jnp.float32)
        r_ref[...] = jnp.dot(xb, wb_ref[...], preferred_element_type=jnp.float32)

    return pl.pallas_call(
        body,
        grid=(_NBLK,),
        in_specs=[
            pl.BlockSpec((_RB, _F_IN), lambda i: (i, 0)),
            pl.BlockSpec((_F_IN, _H), lambda i: (0, 0)),
            pl.BlockSpec((_F_IN, _H), lambda i: (0, 0)),
        ],
        out_specs=[
            pl.BlockSpec((_RB, _H), lambda i: (i, 0)),
            pl.BlockSpec((_RB, _H), lambda i: (i, 0)),
        ],
        out_shape=[
            jax.ShapeDtypeStruct((_N, _H), jnp.float32),
            jax.ShapeDtypeStruct((_N, _H), jnp.float32),
        ],
    )(x, w_rel, w_root)


def _pool_accum(i, onehot, h, pool_ref):
    psum = jnp.dot(onehot, h, preferred_element_type=jnp.float32)

    @pl.when(i == 0)
    def _():
        pool_ref[...] = psum

    @pl.when(i > 0)
    def _():
        pool_ref[...] += psum


def _tc_combine1(parts, r, b_rel, batch3):

    def body(parts_ref, r_ref, b_ref, batch_ref, h_ref, pool_ref, cnt_ref):
        i = pl.program_id(0)
        agg = parts_ref[0] + parts_ref[1]
        h = jnp.maximum(agg + b_ref[...] + r_ref[...], 0.0)
        h_ref[...] = h
        bt = batch_ref[0]
        gids = lax.broadcasted_iota(jnp.int32, (_G, _RB), 0)
        onehot = (gids == bt).astype(jnp.float32)
        _pool_accum(i, onehot, h, pool_ref)
        csum = jnp.sum(onehot, axis=1, keepdims=True)

        @pl.when(i == 0)
        def _():
            cnt_ref[...] = csum

        @pl.when(i > 0)
        def _():
            cnt_ref[...] += csum

    return pl.pallas_call(
        body,
        grid=(_NBLK,),
        in_specs=[
            pl.BlockSpec((_NC, _RB, _H), lambda i: (0, i, 0)),
            pl.BlockSpec((_RB, _H), lambda i: (i, 0)),
            pl.BlockSpec((1, _H), lambda i: (0, 0)),
            pl.BlockSpec((1, 1, _RB), lambda i: (i, 0, 0)),
        ],
        out_specs=[
            pl.BlockSpec((_RB, _H), lambda i: (i, 0)),
            pl.BlockSpec((_G, _H), lambda i: (0, 0)),
            pl.BlockSpec((_G, 1), lambda i: (0, 0)),
        ],
        out_shape=[
            jax.ShapeDtypeStruct((_N, _H), jnp.float32),
            jax.ShapeDtypeStruct((_G, _H), jnp.float32),
            jax.ShapeDtypeStruct((_G, 1), jnp.float32),
        ],
    )(parts, r, b_rel, batch3)


def _tc_combine23(parts, h_prev, w_rel, w_root, b_rel, batch3):

    def body(parts_ref, hp_ref, wa_ref, wb_ref, b_ref, batch_ref, h_ref, pool_ref):
        i = pl.program_id(0)
        agg = parts_ref[0] + parts_ref[1]
        h = jnp.maximum(
            jnp.dot(agg, wa_ref[...], preferred_element_type=jnp.float32)
            + jnp.dot(hp_ref[...], wb_ref[...], preferred_element_type=jnp.float32)
            + b_ref[...],
            0.0,
        )
        h_ref[...] = h
        bt = batch_ref[0]
        gids = lax.broadcasted_iota(jnp.int32, (_G, _RB), 0)
        onehot = (gids == bt).astype(jnp.float32)
        _pool_accum(i, onehot, h, pool_ref)

    return pl.pallas_call(
        body,
        grid=(_NBLK,),
        in_specs=[
            pl.BlockSpec((_NC, _RB, _H), lambda i: (0, i, 0)),
            pl.BlockSpec((_RB, _H), lambda i: (i, 0)),
            pl.BlockSpec((_H, _H), lambda i: (0, 0)),
            pl.BlockSpec((_H, _H), lambda i: (0, 0)),
            pl.BlockSpec((1, _H), lambda i: (0, 0)),
            pl.BlockSpec((1, 1, _RB), lambda i: (i, 0, 0)),
        ],
        out_specs=[
            pl.BlockSpec((_RB, _H), lambda i: (i, 0)),
            pl.BlockSpec((_G, _H), lambda i: (0, 0)),
        ],
        out_shape=[
            jax.ShapeDtypeStruct((_N, _H), jnp.float32),
            jax.ShapeDtypeStruct((_G, _H), jnp.float32),
        ],
    )(parts, h_prev, w_rel, w_root, b_rel, batch3)


def _tc_final(p1, p2, p3, cnt, w1, b1, w2, b2):
    def body(p1_ref, p2_ref, p3_ref, cnt_ref, w1_ref, b1_ref, w2_ref, b2_ref, o_ref):
        inv = 1.0 / jnp.maximum(cnt_ref[...], 1.0)
        j = jnp.concatenate([p1_ref[...], p2_ref[...], p3_ref[...]], axis=1) * inv
        a = jnp.maximum(
            jnp.dot(j, w1_ref[...], preferred_element_type=jnp.float32) + b1_ref[...],
            0.0,
        )
        o_ref[...] = (
            jnp.dot(a, w2_ref[...], preferred_element_type=jnp.float32) + b2_ref[...]
        )

    return pl.pallas_call(
        body,
        out_shape=jax.ShapeDtypeStruct((_G, _C), jnp.float32),
    )(p1, p2, p3, cnt, w1, b1, w2, b2)


def kernel(x, edge_index, batch, W_rel1, b_rel1, W_root1, W_rel2, b_rel2, W_root2,
           W_rel3, b_rel3, W_root3, W1, b1, W2, b2):
    src = edge_index[0].astype(jnp.int32)
    dst = edge_index[1].astype(jnp.int32)
    pad = _EPAD - _E
    src3 = jnp.concatenate([src, jnp.zeros((pad,), jnp.int32)]).reshape(
        _NW, _NCHUNK, _CH)
    dst3 = jnp.concatenate([dst, jnp.full((pad,), _N, jnp.int32)]).reshape(
        _NW, _NCHUNK, _CH)
    batch3 = batch.astype(jnp.int32).reshape(_NBLK, 1, _RB)

    y1, r1 = _tc_pre(x, W_rel1, W_root1)
    parts1 = _sc_segment_sum(y1, src3, dst3)
    h1, pool1, cnt = _tc_combine1(parts1, r1, b_rel1.reshape(1, _H), batch3)
    parts2 = _sc_segment_sum(h1, src3, dst3)
    h2, pool2 = _tc_combine23(parts2, h1, W_rel2, W_root2,
                              b_rel2.reshape(1, _H), batch3)
    parts3 = _sc_segment_sum(h2, src3, dst3)
    _h3, pool3 = _tc_combine23(parts3, h2, W_rel3, W_root3,
                               b_rel3.reshape(1, _H), batch3)
    return _tc_final(pool1, pool2, pool3, cnt, W1, b1.reshape(1, _H),
                     W2, b2.reshape(1, _C))

# --- scband reference (transcript-rebuilt; emitter-appended) ---
"""Pipeline reference for scband-graclus-68169720922642 (READ-ONLY COPY).

The authoritative reference and input builder live on the scoring server;
editing this copy changes nothing except your own understanding.
"""

import jax, jax.numpy as jnp
import numpy as np

N = 10000
E = 320000
F_IN = 128
H = 64
G = 64
C = 16


def _glorot(key, shape):
    fan_in = shape[0]
    return jax.random.normal(key, shape, dtype=jnp.float32) / jnp.sqrt(fan_in)


def setup_inputs(seed: int = 0) -> dict:
    key = jax.random.key(seed)
    ks = jax.random.split(key, 16)
    x = jax.random.normal(ks[0], (N, F_IN), dtype=jnp.float32)
    edge_index = jax.random.randint(ks[1], (2, E), 0, N)
    batch = jnp.sort(jax.random.randint(ks[2], (N,), 0, G))
    # conv1: GraphConv(F_IN -> H), lin_rel has bias, lin_root has no bias
    W_rel1 = _glorot(ks[3], (F_IN, H)); b_rel1 = jnp.zeros((H,), jnp.float32)
    W_root1 = _glorot(ks[4], (F_IN, H))
    # convs[0], convs[1]: GraphConv(H -> H)
    W_rel2 = _glorot(ks[5], (H, H)); b_rel2 = jnp.zeros((H,), jnp.float32)
    W_root2 = _glorot(ks[6], (H, H))
    W_rel3 = _glorot(ks[7], (H, H)); b_rel3 = jnp.zeros((H,), jnp.float32)
    W_root3 = _glorot(ks[8], (H, H))
    # lin1: Linear(num_layers*H -> H), lin2: Linear(H -> C)
    W1 = _glorot(ks[9], (3 * H, H)); b1 = jnp.zeros((H,), jnp.float32)
    W2 = _glorot(ks[10], (H, C)); b2 = jnp.zeros((C,), jnp.float32)
    return {"x": x, "edge_index": edge_index, "batch": batch,
            "W_rel1": W_rel1, "b_rel1": b_rel1, "W_root1": W_root1,
            "W_rel2": W_rel2, "b_rel2": b_rel2, "W_root2": W_root2,
            "W_rel3": W_rel3, "b_rel3": b_rel3, "W_root3": W_root3,
            "W1": W1, "b1": b1, "W2": W2, "b2": b2}


def _graph_conv(x, edge_index, W_rel, b_rel, W_root):
    # PyG GraphConv with aggr='add': out = lin_rel(sum_{j->i} x_j) + lin_root(x_i)
    src = edge_index[0]
    dst = edge_index[1]
    msgs = jnp.take(x, src, axis=0)
    agg = jax.ops.segment_sum(msgs, dst, num_segments=x.shape[0])
    return agg @ W_rel + b_rel + x @ W_root


def _global_mean_pool(x, batch):
    s = jax.ops.segment_sum(x, batch, num_segments=G)
    cnt = jax.ops.segment_sum(jnp.ones((x.shape[0], 1), jnp.float32), batch, num_segments=G)
    return s / jnp.maximum(cnt, 1.0)


def reference(x, edge_index, batch, W_rel1, b_rel1, W_root1, W_rel2, b_rel2, W_root2, W_rel3, b_rel3, W_root3, W1, b1, W2, b2):
    # pooling_type='none', no_cat=False, encode_edge=False
    h = jax.nn.relu(_graph_conv(x, edge_index, W_rel1, b_rel1, W_root1))
    xs = [_global_mean_pool(h, batch)]
    h = jax.nn.relu(_graph_conv(h, edge_index, W_rel2, b_rel2, W_root2))
    xs.append(_global_mean_pool(h, batch))
    h = jax.nn.relu(_graph_conv(h, edge_index, W_rel3, b_rel3, W_root3))
    xs.append(_global_mean_pool(h, batch))
    j = jnp.concatenate(xs, axis=1)  # JumpingKnowledge mode='cat' -> [G, 3*H]
    j = jax.nn.relu(j @ W1 + b1)
    out = j @ W2 + b2
    return out

if __name__ == "__main__":
    import jax
    _d = setup_inputs()
    print(jax.jit(kernel)(*tuple(_d.values())))

</pallas_src>

<mosaic_0001>
#map = affine_map<(d0, d1) -> (0, 0)>
#map1 = affine_map<(d0, d1) -> (0, 0, 0)>
module attributes {stable_mosaic.version = 14 : i64} {
  func.func @k(%arg0: i32, %arg1: i32, %arg2: memref<10000x64xf32, #tpu.memory_space<hbm>>, %arg3: memref<32x79x128xi32, #tpu.memory_space<hbm>>, %arg4: memref<32x79x128xi32, #tpu.memory_space<hbm>>, %arg5: memref<2x10000x64xf32, #tpu.memory_space<hbm>>, %arg6: memref<79x128xi32, #tpu.memory_space<vmem>>, %arg7: memref<79x128xi32, #tpu.memory_space<vmem>>, %arg8: memref<128x64xf32, #tpu.memory_space<vmem>>, %arg9: memref<10240x64xf32, #tpu.memory_space<vmem_shared>>, %arg10: memref<!tpu.dma_semaphore, #tpu.memory_space<semaphore_mem>>) attributes {dimension_semantics = [#tpu.dimension_semantics<core_parallel>, #tpu.dimension_semantics<subcore_parallel>], iteration_bounds = array<i64: 2, 16>, scalar_prefetch = 0 : i64, scratch_operands = 5 : i64, tpu.core_type = #tpu.core_type<sc_vector_subcore>, window_params = [{transform_indices = #map}, {transform_indices = #map1}, {transform_indices = #map1}, {transform_indices = #map1}]} {
    %mul3A = arith.constant 2 : i32
    %mul3A_0 = arith.muli %arg1, %mul3A : i32
    %add3A = arith.addi %mul3A_0, %arg0 : i32
    %broadcast_in_dim3A = arith.constant 0.000000e+00 : f32
    %broadcast_in_dim3A_1 = vector.broadcast %broadcast_in_dim3A : f32 to vector<16xf32>
    %scan3A = arith.constant 0 : i32
    %scan3A_2 = arith.constant 0 : i32
    %scan3A_3 = arith.constant 128 : i32
    %scan3A_4 = arith.addi %scan3A_2, %scan3A_3 : i32
    %scan3A_5 = arith.constant 1 : i32
    scf.for %scan3A_42 = %scan3A_2 to %scan3A_4 step %scan3A_5  : i32 {
      %swap3A = arith.index_cast %scan3A_42 : i32 to index
      %swap3A_43 = arith.constant 0 : index
      %swap3A_44 = tpu.vector_load %arg8[%swap3A, %swap3A_43] {strides = array<i32>} : memref<128x64xf32, #tpu.memory_space<vmem>>, vector<1x16xf32>,
      %swap3A_45 = vector.shape_cast %swap3A_44 : vector<1x16xf32> to vector<16xf32>
      %swap3A_46 = vector.shape_cast %broadcast_in_dim3A_1 : vector<16xf32> to vector<1x16xf32>
      tpu.vector_store %arg8[%swap3A, %swap3A_43], %swap3A_46 {strides = array<i32>} : memref<128x64xf32, #tpu.memory_space<vmem>>, vector<1x16xf32>,
      %swap3A_47 = arith.index_cast %scan3A_42 : i32 to index
      %swap3A_48 = arith.constant 16 : index
      %swap3A_49 = tpu.vector_load %arg8[%swap3A_47, %swap3A_48] {strides = array<i32>} : memref<128x64xf32, #tpu.memory_space<vmem>>, vector<1x16xf32>,
      %swap3A_50 = vector.shape_cast %swap3A_49 : vector<1x16xf32> to vector<16xf32>
      %swap3A_51 = vector.shape_cast %broadcast_in_dim3A_1 : vector<16xf32> to vector<1x16xf32>
      tpu.vector_store %arg8[%swap3A_47, %swap3A_48], %swap3A_51 {strides = array<i32>} : memref<128x64xf32, #tpu.memory_space<vmem>>, vector<1x16xf32>,
      %swap3A_52 = arith.index_cast %scan3A_42 : i32 to index
      %swap3A_53 = arith.constant 32 : index
      %swap3A_54 = tpu.vector_load %arg8[%swap3A_52, %swap3A_53] {strides = array<i32>} : memref<128x64xf32, #tpu.memory_space<vmem>>, vector<1x16xf32>,
      %swap3A_55 = vector.shape_cast %swap3A_54 : vector<1x16xf32> to vector<16xf32>
      %swap3A_56 = vector.shape_cast %broadcast_in_dim3A_1 : vector<16xf32> to vector<1x16xf32>
      tpu.vector_store %arg8[%swap3A_52, %swap3A_53], %swap3A_56 {strides = array<i32>} : memref<128x64xf32, #tpu.memory_space<vmem>>, vector<1x16xf32>,
      %swap3A_57 = arith.index_cast %scan3A_42 : i32 to index
      %swap3A_58 = arith.constant 48 : index
      %swap3A_59 = tpu.vector_load %arg8[%swap3A_57, %swap3A_58] {strides = array<i32>} : memref<128x64xf32, #tpu.memory_space<vmem>>, vector<1x16xf32>,
      %swap3A_60 = vector.shape_cast %swap3A_59 : vector<1x16xf32> to vector<16xf32>
      %swap3A_61 = vector.shape_cast %broadcast_in_dim3A_1 : vector<16xf32> to vector<1x16xf32>
      tpu.vector_store %arg8[%swap3A_57, %swap3A_58], %swap3A_61 {strides = array<i32>} : memref<128x64xf32, #tpu.memory_space<vmem>>, vector<1x16xf32>,
    }
    %scan3A_6 = arith.constant 128 : i32
    %mul3A_7 = arith.constant 640 : i32
    %mul3A_8 = arith.muli %arg1, %mul3A_7 : i32
    %add3A_9 = arith.constant 0 : i32
    %add3A_10 = arith.addi %mul3A_8, %add3A_9 : i32
    "tpu.region"() ({
      %run_scoped3A = tpu.sem_alloc : memref<!tpu.dma_semaphore, #tpu.memory_space<semaphore_mem>>
      %dma_start3A = arith.constant 0 : i32
      %dma_start3A_42 = tpu.memref_slice %arg9[%add3A_10, %dma_start3A] : memref<10240x64xf32, #tpu.memory_space<vmem_shared>> -> memref<128x64xf32, #tpu.memory_space<vmem_shared>>
      %dma_start3A_43 = arith.constant 0 : i32
      %dma_start3A_44 = tpu.memref_slice %arg9[%add3A_10, %dma_start3A_43] : memref<10240x64xf32, #tpu.memory_space<vmem_shared>> -> memref<128x64xf32, #tpu.memory_space<vmem_shared>>
      tpu.enqueue_dma source(%arg8 : memref<128x64xf32, #tpu.memory_space<vmem>>) target(%dma_start3A_44 : memref<128x64xf32, #tpu.memory_space<vmem_shared>>) target_semaphore(%run_scoped3A : memref<!tpu.dma_semaphore, #tpu.memory_space<semaphore_mem>>)
      %dma_wait3A = arith.constant 0 : i32
      %dma_wait3A_45 = tpu.memref_slice %arg9[%add3A_10, %dma_wait3A] : memref<10240x64xf32, #tpu.memory_space<vmem_shared>> -> memref<128x64xf32, #tpu.memory_space<vmem_shared>>
      %dma_wait3A_46 = arith.constant 0 : i32
      %dma_wait3A_47 = tpu.memref_slice %arg9[%add3A_10, %dma_wait3A_46] : memref<10240x64xf32, #tpu.memory_space<vmem_shared>> -> memref<128x64xf32, #tpu.memory_space<vmem_shared>>
      tpu.wait_dma2 semaphore(%run_scoped3A : memref<!tpu.dma_semaphore, #tpu.memory_space<semaphore_mem>>) src(%arg8 : memref<128x64xf32, #tpu.memory_space<vmem>>) dst(%dma_wait3A_47 : memref<128x64xf32, #tpu.memory_space<vmem_shared>>)
      tpu.yield
    }) : () -> ()
    %mul3A_11 = arith.constant 640 : i32
    %mul3A_12 = arith.muli %arg1, %mul3A_11 : i32
    %add3A_13 = arith.constant 128 : i32
    %add3A_14 = arith.addi %mul3A_12, %add3A_13 : i32
    "tpu.region"() ({
      %run_scoped3A = tpu.sem_alloc : memref<!tpu.dma_semaphore, #tpu.memory_space<semaphore_mem>>
      %dma_start3A = arith.constant 0 : i32
      %dma_start3A_42 = tpu.memref_slice %arg9[%add3A_14, %dma_start3A] : memref<10240x64xf32, #tpu.memory_space<vmem_shared>> -> memref<128x64xf32, #tpu.memory_space<vmem_shared>>
      %dma_start3A_43 = arith.constant 0 : i32
      %dma_start3A_44 = tpu.memref_slice %arg9[%add3A_14, %dma_start3A_43] : memref<10240x64xf32, #tpu.memory_space<vmem_shared>> -> memref<128x64xf32, #tpu.memory_space<vmem_shared>>
      tpu.enqueue_dma source(%arg8 : memref<128x64xf32, #tpu.memory_space<vmem>>) target(%dma_start3A_44 : memref<128x64xf32, #tpu.memory_space<vmem_shared>>) target_semaphore(%run_scoped3A : memref<!tpu.dma_semaphore, #tpu.memory_space<semaphore_mem>>)
      %dma_wait3A = arith.constant 0 : i32
      %dma_wait3A_45 = tpu.memref_slice %arg9[%add3A_14, %dma_wait3A] : memref<10240x64xf32, #tpu.memory_space<vmem_shared>> -> memref<128x64xf32, #tpu.memory_space<vmem_shared>>
      %dma_wait3A_46 = arith.constant 0 : i32
      %dma_wait3A_47 = tpu.memref_slice %arg9[%add3A_14, %dma_wait3A_46] : memref<10240x64xf32, #tpu.memory_space<vmem_shared>> -> memref<128x64xf32, #tpu.memory_space<vmem_shared>>
      tpu.wait_dma2 semaphore(%run_scoped3A : memref<!tpu.dma_semaphore, #tpu.memory_space<semaphore_mem>>) src(%arg8 : memref<128x64xf32, #tpu.memory_space<vmem>>) dst(%dma_wait3A_47 : memref<128x64xf32, #tpu.memory_space<vmem_shared>>)
      tpu.yield
    }) : () -> ()
    %mul3A_15 = arith.constant 640 : i32
    %mul3A_16 = arith.muli %arg1, %mul3A_15 : i32
    %add3A_17 = arith.constant 256 : i32
    %add3A_18 = arith.addi %mul3A_16, %add3A_17 : i32
    "tpu.region"() ({
      %run_scoped3A = tpu.sem_alloc : memref<!tpu.dma_semaphore, #tpu.memory_space<semaphore_mem>>
      %dma_start3A = arith.constant 0 : i32
      %dma_start3A_42 = tpu.memref_slice %arg9[%add3A_18, %dma_start3A] : memref<10240x64xf32, #tpu.memory_space<vmem_shared>> -> memref<128x64xf32, #tpu.memory_space<vmem_shared>>
      %dma_start3A_43 = arith.constant 0 : i32
      %dma_start3A_44 = tpu.memref_slice %arg9[%add3A_18, %dma_start3A_43] : memref<10240x64xf32, #tpu.memory_space<vmem_shared>> -> memref<128x64xf32, #tpu.memory_space<vmem_shared>>
      tpu.enqueue_dma source(%arg8 : memref<128x64xf32, #tpu.memory_space<vmem>>) target(%dma_start3A_44 : memref<128x64xf32, #tpu.memory_space<vmem_shared>>) target_semaphore(%run_scoped3A : memref<!tpu.dma_semaphore, #tpu.memory_space<semaphore_mem>>)
      %dma_wait3A = arith.constant 0 : i32
      %dma_wait3A_45 = tpu.memref_slice %arg9[%add3A_18, %dma_wait3A] : memref<10240x64xf32, #tpu.memory_space<vmem_shared>> -> memref<128x64xf32, #tpu.memory_space<vmem_shared>>
      %dma_wait3A_46 = arith.constant 0 : i32
      %dma_wait3A_47 = tpu.memref_slice %arg9[%add3A_18, %dma_wait3A_46] : memref<10240x64xf32, #tpu.memory_space<vmem_shared>> -> memref<128x64xf32, #tpu.memory_space<vmem_shared>>
      tpu.wait_dma2 semaphore(%run_scoped3A : memref<!tpu.dma_semaphore, #tpu.memory_space<semaphore_mem>>) src(%arg8 : memref<128x64xf32, #tpu.memory_space<vmem>>) dst(%dma_wait3A_47 : memref<128x64xf32, #tpu.memory_space<vmem_shared>>)
      tpu.yield
    }) : () -> ()
    %mul3A_19 = arith.constant 640 : i32
    %mul3A_20 = arith.muli %arg1, %mul3A_19 : i32
    %add3A_21 = arith.constant 384 : i32
    %add3A_22 = arith.addi %mul3A_20, %add3A_21 : i32
    "tpu.region"() ({
      %run_scoped3A = tpu.sem_alloc : memref<!tpu.dma_semaphore, #tpu.memory_space<semaphore_mem>>
      %dma_start3A = arith.constant 0 : i32
      %dma_start3A_42 = tpu.memref_slice %arg9[%add3A_22, %dma_start3A] : memref<10240x64xf32, #tpu.memory_space<vmem_shared>> -> memref<128x64xf32, #tpu.memory_space<vmem_shared>>
      %dma_start3A_43 = arith.constant 0 : i32
      %dma_start3A_44 = tpu.memref_slice %arg9[%add3A_22, %dma_start3A_43] : memref<10240x64xf32, #tpu.memory_space<vmem_shared>> -> memref<128x64xf32, #tpu.memory_space<vmem_shared>>
      tpu.enqueue_dma source(%arg8 : memref<128x64xf32, #tpu.memory_space<vmem>>) target(%dma_start3A_44 : memref<128x64xf32, #tpu.memory_space<vmem_shared>>) target_semaphore(%run_scoped3A : memref<!tpu.dma_semaphore, #tpu.memory_space<semaphore_mem>>)
      %dma_wait3A = arith.constant 0 : i32
      %dma_wait3A_45 = tpu.memref_slice %arg9[%add3A_22, %dma_wait3A] : memref<10240x64xf32, #tpu.memory_space<vmem_shared>> -> memref<128x64xf32, #tpu.memory_space<vmem_shared>>
      %dma_wait3A_46 = arith.constant 0 : i32
      %dma_wait3A_47 = tpu.memref_slice %arg9[%add3A_22, %dma_wait3A_46] : memref<10240x64xf32, #tpu.memory_space<vmem_shared>> -> memref<128x64xf32, #tpu.memory_space<vmem_shared>>
      tpu.wait_dma2 semaphore(%run_scoped3A : memref<!tpu.dma_semaphore, #tpu.memory_space<semaphore_mem>>) src(%arg8 : memref<128x64xf32, #tpu.memory_space<vmem>>) dst(%dma_wait3A_47 : memref<128x64xf32, #tpu.memory_space<vmem_shared>>)
      tpu.yield
    }) : () -> ()
    %mul3A_23 = arith.constant 640 : i32
    %mul3A_24 = arith.muli %arg1, %mul3A_23 : i32
    %add3A_25 = arith.constant 512 : i32
    %add3A_26 = arith.addi %mul3A_24, %add3A_25 : i32
    "tpu.region"() ({
      %run_scoped3A = tpu.sem_alloc : memref<!tpu.dma_semaphore, #tpu.memory_space<semaphore_mem>>
      %dma_start3A = arith.constant 0 : i32
      %dma_start3A_42 = tpu.memref_slice %arg9[%add3A_26, %dma_start3A] : memref<10240x64xf32, #tpu.memory_space<vmem_shared>> -> memref<128x64xf32, #tpu.memory_space<vmem_shared>>
      %dma_start3A_43 = arith.constant 0 : i32
      %dma_start3A_44 = tpu.memref_slice %arg9[%add3A_26, %dma_start3A_43] : memref<10240x64xf32, #tpu.memory_space<vmem_shared>> -> memref<128x64xf32, #tpu.memory_space<vmem_shared>>
      tpu.enqueue_dma source(%arg8 : memref<128x64xf32, #tpu.memory_space<vmem>>) target(%dma_start3A_44 : memref<128x64xf32, #tpu.memory_space<vmem_shared>>) target_semaphore(%run_scoped3A : memref<!tpu.dma_semaphore, #tpu.memory_space<semaphore_mem>>)
      %dma_wait3A = arith.constant 0 : i32
      %dma_wait3A_45 = tpu.memref_slice %arg9[%add3A_26, %dma_wait3A] : memref<10240x64xf32, #tpu.memory_space<vmem_shared>> -> memref<128x64xf32, #tpu.memory_space<vmem_shared>>
      %dma_wait3A_46 = arith.constant 0 : i32
      %dma_wait3A_47 = tpu.memref_slice %arg9[%add3A_26, %dma_wait3A_46] : memref<10240x64xf32, #tpu.memory_space<vmem_shared>> -> memref<128x64xf32, #tpu.memory_space<vmem_shared>>
      tpu.wait_dma2 semaphore(%run_scoped3A : memref<!tpu.dma_semaphore, #tpu.memory_space<semaphore_mem>>) src(%arg8 : memref<128x64xf32, #tpu.memory_space<vmem>>) dst(%dma_wait3A_47 : memref<128x64xf32, #tpu.memory_space<vmem_shared>>)
      tpu.yield
    }) : () -> ()
    "tpu.region"() ({
      %run_scoped3A = tpu.sem_alloc : memref<!tpu.dma_semaphore, #tpu.memory_space<semaphore_mem>>
      %dma_start3A = arith.constant 0 : i32
      %dma_start3A_42 = arith.constant 0 : i32
      %dma_start3A_43 = tpu.memref_slice %arg3[%add3A, %dma_start3A, %dma_start3A_42] : memref<32x79x128xi32, #tpu.memory_space<hbm>> -> memref<1x79x128xi32, #tpu.memory_space<hbm>>
      %dma_start3A_44 = tpu.memref_squeeze %dma_start3A_43 : memref<1x79x128xi32, #tpu.memory_space<hbm>> -> memref<79x128xi32, #tpu.memory_space<hbm>>
      %dma_start3A_45 = arith.constant 0 : i32
      %dma_start3A_46 = arith.constant 0 : i32
      %dma_start3A_47 = tpu.memref_slice %arg3[%add3A, %dma_start3A_45, %dma_start3A_46] : memref<32x79x128xi32, #tpu.memory_space<hbm>> -> memref<1x79x128xi32, #tpu.memory_space<hbm>>
      %dma_start3A_48 = tpu.memref_squeeze %dma_start3A_47 : memref<1x79x128xi32, #tpu.memory_space<hbm>> -> memref<79x128xi32, #tpu.memory_space<hbm>>
      tpu.enqueue_dma source(%dma_start3A_48 : memref<79x128xi32, #tpu.memory_space<hbm>>) target(%arg6 : memref<79x128xi32, #tpu.memory_space<vmem>>) target_semaphore(%run_scoped3A : memref<!tpu.dma_semaphore, #tpu.memory_space<semaphore_mem>>)
      %dma_wait3A = arith.constant 0 : i32
      %dma_wait3A_49 = arith.constant 0 : i32
      %dma_wait3A_50 = tpu.memref_slice %arg3[%add3A, %dma_wait3A, %dma_wait3A_49] : memref<32x79x128xi32, #tpu.memory_space<hbm>> -> memref<1x79x128xi32, #tpu.memory_space<hbm>>
      %dma_wait3A_51 = tpu.memref_squeeze %dma_wait3A_50 : memref<1x79x128xi32, #tpu.memory_space<hbm>> -> memref<79x128xi32, #tpu.memory_space<hbm>>
      %dma_wait3A_52 = arith.constant 0 : i32
      %dma_wait3A_53 = arith.constant 0 : i32
      %dma_wait3A_54 = tpu.memref_slice %arg3[%add3A, %dma_wait3A_52, %dma_wait3A_53] : memref<32x79x128xi32, #tpu.memory_space<hbm>> -> memref<1x79x128xi32, #tpu.memory_space<hbm>>
      %dma_wait3A_55 = tpu.memref_squeeze %dma_wait3A_54 : memref<1x79x128xi32, #tpu.memory_space<hbm>> -> memref<79x128xi32, #tpu.memory_space<hbm>>
      tpu.wait_dma2 semaphore(%run_scoped3A : memref<!tpu.dma_semaphore, #tpu.memory_space<semaphore_mem>>) src(%dma_wait3A_55 : memref<79x128xi32, #tpu.memory_space<hbm>>) dst(%arg6 : memref<79x128xi32, #tpu.memory_space<vmem>>)
      tpu.yield
    }) : () -> ()
    "tpu.region"() ({
      %run_scoped3A = tpu.sem_alloc : memref<!tpu.dma_semaphore, #tpu.memory_space<semaphore_mem>>
      %dma_start3A = arith.constant 0 : i32
      %dma_start3A_42 = arith.constant 0 : i32
      %dma_start3A_43 = tpu.memref_slice %arg4[%add3A, %dma_start3A, %dma_start3A_42] : memref<32x79x128xi32, #tpu.memory_space<hbm>> -> memref<1x79x128xi32, #tpu.memory_space<hbm>>
      %dma_start3A_44 = tpu.memref_squeeze %dma_start3A_43 : memref<1x79x128xi32, #tpu.memory_space<hbm>> -> memref<79x128xi32, #tpu.memory_space<hbm>>
      %dma_start3A_45 = arith.constant 0 : i32
      %dma_start3A_46 = arith.constant 0 : i32
      %dma_start3A_47 = tpu.memref_slice %arg4[%add3A, %dma_start3A_45, %dma_start3A_46] : memref<32x79x128xi32, #tpu.memory_space<hbm>> -> memref<1x79x128xi32, #tpu.memory_space<hbm>>
      %dma_start3A_48 = tpu.memref_squeeze %dma_start3A_47 : memref<1x79x128xi32, #tpu.memory_space<hbm>> -> memref<79x128xi32, #tpu.memory_space<hbm>>
      tpu.enqueue_dma source(%dma_start3A_48 : memref<79x128xi32, #tpu.memory_space<hbm>>) target(%arg7 : memref<79x128xi32, #tpu.memory_space<vmem>>) target_semaphore(%run_scoped3A : memref<!tpu.dma_semaphore, #tpu.memory_space<semaphore_mem>>)
      %dma_wait3A = arith.constant 0 : i32
      %dma_wait3A_49 = arith.constant 0 : i32
      %dma_wait3A_50 = tpu.memref_slice %arg4[%add3A, %dma_wait3A, %dma_wait3A_49] : memref<32x79x128xi32, #tpu.memory_space<hbm>> -> memref<1x79x128xi32, #tpu.memory_space<hbm>>
      %dma_wait3A_51 = tpu.memref_squeeze %dma_wait3A_50 : memref<1x79x128xi32, #tpu.memory_space<hbm>> -> memref<79x128xi32, #tpu.memory_space<hbm>>
      %dma_wait3A_52 = arith.constant 0 : i32
      %dma_wait3A_53 = arith.constant 0 : i32
      %dma_wait3A_54 = tpu.memref_slice %arg4[%add3A, %dma_wait3A_52, %dma_wait3A_53] : memref<32x79x128xi32, #tpu.memory_space<hbm>> -> memref<1x79x128xi32, #tpu.memory_space<hbm>>
      %dma_wait3A_55 = tpu.memref_squeeze %dma_wait3A_54 : memref<1x79x128xi32, #tpu.memory_space<hbm>> -> memref<79x128xi32, #tpu.memory_space<hbm>>
      tpu.wait_dma2 semaphore(%run_scoped3A : memref<!tpu.dma_semaphore, #tpu.memory_space<semaphore_mem>>) src(%dma_wait3A_55 : memref<79x128xi32, #tpu.memory_space<hbm>>) dst(%arg7 : memref<79x128xi32, #tpu.memory_space<vmem>>)
      tpu.yield
    }) : () -> ()
    %barrier3A = arith.constant 0 : index
    tpu.barrier barrier_id(%barrier3A)
    %scan3A_27 = arith.constant 0 : i32
    %scan3A_28 = arith.constant 0 : i32
    %scan3A_29 = arith.constant 79 : i32
    %scan3A_30 = arith.addi %scan3A_28, %scan3A_29 : i32
    %scan3A_31 = arith.constant 1 : i32
    scf.for %scan3A_42 = %scan3A_28 to %scan3A_30 step %scan3A_31  : i32 {
      %dma_start3A = arith.constant 0 : i32
      %dma_start3A_43 = tpu.memref_slice %arg6[%scan3A_42, %dma_start3A] : memref<79x128xi32, #tpu.memory_space<vmem>> -> memref<1x128xi32, #tpu.memory_space<vmem>>
      %dma_start3A_44 = tpu.memref_squeeze %dma_start3A_43 : memref<1x128xi32, #tpu.memory_space<vmem>> -> memref<128xi32, #tpu.memory_space<vmem>>
      %dma_start3A_45 = arith.constant 0 : i32
      %dma_start3A_46 = arith.constant 0 : i32
      %dma_start3A_47 = tpu.memref_slice %arg2[%dma_start3A_45, %dma_start3A_46] : memref<10000x64xf32, #tpu.memory_space<hbm>> -> memref<10000x64xf32, #tpu.memory_space<hbm>>
      tpu.enqueue_indirect_dma source(%dma_start3A_47 : memref<10000x64xf32, #tpu.memory_space<hbm>>) target(%arg8 : memref<128x64xf32, #tpu.memory_space<vmem>>) offsets(%dma_start3A_44 : memref<128xi32, #tpu.memory_space<vmem>>) semaphore(%arg10 : memref<!tpu.dma_semaphore, #tpu.memory_space<semaphore_mem>>)
      %dma_wait3A = arith.constant 0 : i32
      %dma_wait3A_48 = tpu.memref_slice %arg6[%scan3A_42, %dma_wait3A] : memref<79x128xi32, #tpu.memory_space<vmem>> -> memref<1x128xi32, #tpu.memory_space<vmem>>
      %dma_wait3A_49 = tpu.memref_squeeze %dma_wait3A_48 : memref<1x128xi32, #tpu.memory_space<vmem>> -> memref<128xi32, #tpu.memory_space<vmem>>
      %dma_wait3A_50 = arith.constant 0 : i32
      %dma_wait3A_51 = arith.constant 0 : i32
      %dma_wait3A_52 = tpu.memref_slice %arg2[%dma_wait3A_50, %dma_wait3A_51] : memref<10000x64xf32, #tpu.memory_space<hbm>> -> memref<10000x64xf32, #tpu.memory_space<hbm>>
      tpu.wait_indirect_dma semaphore(%arg10 : memref<!tpu.dma_semaphore, #tpu.memory_space<semaphore_mem>>) src(%dma_wait3A_52 : memref<10000x64xf32, #tpu.memory_space<hbm>>) dst(%arg8 : memref<128x64xf32, #tpu.memory_space<vmem>>)
      "tpu.region"() ({
        %run_scoped3A = tpu.sem_alloc : memref<!tpu.dma_semaphore, #tpu.memory_space<semaphore_mem>>
        %dma_start3A_53 = arith.constant 0 : i32
        %dma_start3A_54 = tpu.memref_slice %arg7[%scan3A_42, %dma_start3A_53] : memref<79x128xi32, #tpu.memory_space<vmem>> -> memref<1x128xi32, #tpu.memory_space<vmem>>
        %dma_start3A_55 = tpu.memref_squeeze %dma_start3A_54 : memref<1x128xi32, #tpu.memory_space<vmem>> -> memref<128xi32, #tpu.memory_space<vmem>>
        %dma_start3A_56 = arith.constant 0 : i32
        %dma_start3A_57 = arith.constant 0 : i32
        %dma_start3A_58 = tpu.memref_slice %arg9[%dma_start3A_56, %dma_start3A_57] : memref<10240x64xf32, #tpu.memory_space<vmem_shared>> -> memref<10240x64xf32, #tpu.memory_space<vmem_shared>>
        tpu.enqueue_indirect_dma source(%arg8 : memref<128x64xf32, #tpu.memory_space<vmem>>) target(%dma_start3A_58 : memref<10240x64xf32, #tpu.memory_space<vmem_shared>>) offsets(%dma_start3A_55 : memref<128xi32, #tpu.memory_space<vmem>>) semaphore(%run_scoped3A : memref<!tpu.dma_semaphore, #tpu.memory_space<semaphore_mem>>) {add = true}
        %dma_wait3A_59 = arith.constant 0 : i32
        %dma_wait3A_60 = tpu.memref_slice %arg7[%scan3A_42, %dma_wait3A_59] : memref<79x128xi32, #tpu.memory_space<vmem>> -> memref<1x128xi32, #tpu.memory_space<vmem>>
        %dma_wait3A_61 = tpu.memref_squeeze %dma_wait3A_60 : memref<1x128xi32, #tpu.memory_space<vmem>> -> memref<128xi32, #tpu.memory_space<vmem>>
        %dma_wait3A_62 = arith.constant 0 : i32
        %dma_wait3A_63 = arith.constant 0 : i32
        %dma_wait3A_64 = tpu.memref_slice %arg9[%dma_wait3A_62, %dma_wait3A_63] : memref<10240x64xf32, #tpu.memory_space<vmem_shared>> -> memref<10240x64xf32, #tpu.memory_space<vmem_shared>>
        tpu.wait_indirect_dma semaphore(%run_scoped3A : memref<!tpu.dma_semaphore, #tpu.memory_space<semaphore_mem>>) src(%arg8 : memref<128x64xf32, #tpu.memory_space<vmem>>) dst(%dma_wait3A_64 : memref<10240x64xf32, #tpu.memory_space<vmem_shared>>)
        tpu.yield
      }) : () -> ()
    }
    %scan3A_32 = arith.constant 79 : i32
    %barrier3A_33 = arith.constant 0 : index
    tpu.barrier barrier_id(%barrier3A_33)
    %mul3A_34 = arith.constant 624 : i32
    %mul3A_35 = arith.muli %arg1, %mul3A_34 : i32
    %multiple_of3A = tpu.assume_multiple %mul3A_35, 8 : i32
    %lt3A = arith.constant 15 : i32
    %lt3A_36 = arith.cmpi slt, %arg1, %lt3A : i32
    %convert_element_type3A = arith.extui %lt3A_36 : i1 to i32
    %cond3A = arith.constant 0 : i32
    %cond3A_37 = arith.cmpi ne, %convert_element_type3A, %cond3A : i32
    scf.if %cond3A_37 {
      "tpu.region"() ({
        %run_scoped3A = tpu.sem_alloc : memref<!tpu.dma_semaphore, #tpu.memory_space<semaphore_mem>>
        %dma_start3A = arith.constant 0 : i32
        %dma_start3A_42 = tpu.memref_slice %arg5[%arg0, %multiple_of3A, %dma_start3A] : memref<2x10000x64xf32, #tpu.memory_space<hbm>> -> memref<1x624x64xf32, #tpu.memory_space<hbm>>
        %dma_start3A_43 = tpu.memref_squeeze %dma_start3A_42 : memref<1x624x64xf32, #tpu.memory_space<hbm>> -> memref<624x64xf32, #tpu.memory_space<hbm>>
        %dma_start3A_44 = arith.constant 0 : i32
        %dma_start3A_45 = tpu.memref_slice %arg9[%multiple_of3A, %dma_start3A_44] : memref<10240x64xf32, #tpu.memory_space<vmem_shared>> -> memref<624x64xf32, #tpu.memory_space<vmem_shared>>
        tpu.enqueue_dma source(%dma_start3A_45 : memref<624x64xf32, #tpu.memory_space<vmem_shared>>) target(%dma_start3A_43 : memref<624x64xf32, #tpu.memory_space<hbm>>) target_semaphore(%run_scoped3A : memref<!tpu.dma_semaphore, #tpu.memory_space<semaphore_mem>>)
        %dma_wait3A = arith.constant 0 : i32
        %dma_wait3A_46 = tpu.memref_slice %arg5[%arg0, %multiple_of3A, %dma_wait3A] : memref<2x10000x64xf32, #tpu.memory_space<hbm>> -> memref<1x624x64xf32, #tpu.memory_space<hbm>>
        %dma_wait3A_47 = tpu.memref_squeeze %dma_wait3A_46 : memref<1x624x64xf32, #tpu.memory_space<hbm>> -> memref<624x64xf32, #tpu.memory_space<hbm>>
        %dma_wait3A_48 = arith.constant 0 : i32
        %dma_wait3A_49 = tpu.memref_slice %arg9[%multiple_of3A, %dma_wait3A_48] : memref<10240x64xf32, #tpu.memory_space<vmem_shared>> -> memref<624x64xf32, #tpu.memory_space<vmem_shared>>
        tpu.wait_dma2 semaphore(%run_scoped3A : memref<!tpu.dma_semaphore, #tpu.memory_space<semaphore_mem>>) src(%dma_wait3A_49 : memref<624x64xf32, #tpu.memory_space<vmem_shared>>) dst(%dma_wait3A_47 : memref<624x64xf32, #tpu.memory_space<hbm>>)
        tpu.yield
      }) : () -> ()
    } else {
    }
    %eq3A = arith.constant 15 : i32
    %eq3A_38 = arith.cmpi eq, %arg1, %eq3A : i32
    %convert_element_type3A_39 = arith.extui %eq3A_38 : i1 to i32
    %cond3A_40 = arith.constant 0 : i32
    %cond3A_41 = arith.cmpi ne, %convert_element_type3A_39, %cond3A_40 : i32
    scf.if %cond3A_41 {
      "tpu.region"() ({
        %run_scoped3A = tpu.sem_alloc : memref<!tpu.dma_semaphore, #tpu.memory_space<semaphore_mem>>
        %dma_start3A = arith.constant 9360 : i32
        %dma_start3A_42 = arith.constant 0 : i32
        %dma_start3A_43 = tpu.memref_slice %arg5[%arg0, %dma_start3A, %dma_start3A_42] : memref<2x10000x64xf32, #tpu.memory_space<hbm>> -> memref<1x640x64xf32, #tpu.memory_space<hbm>>
        %dma_start3A_44 = tpu.memref_squeeze %dma_start3A_43 : memref<1x640x64xf32, #tpu.memory_space<hbm>> -> memref<640x64xf32, #tpu.memory_space<hbm>>
        %dma_start3A_45 = arith.constant 9360 : i32
        %dma_start3A_46 = arith.constant 0 : i32
        %dma_start3A_47 = tpu.memref_slice %arg9[%dma_start3A_45, %dma_start3A_46] : memref<10240x64xf32, #tpu.memory_space<vmem_shared>> -> memref<640x64xf32, #tpu.memory_space<vmem_shared>>
        tpu.enqueue_dma source(%dma_start3A_47 : memref<640x64xf32, #tpu.memory_space<vmem_shared>>) target(%dma_start3A_44 : memref<640x64xf32, #tpu.memory_space<hbm>>) target_semaphore(%run_scoped3A : memref<!tpu.dma_semaphore, #tpu.memory_space<semaphore_mem>>)
        %dma_wait3A = arith.constant 9360 : i32
        %dma_wait3A_48 = arith.constant 0 : i32
        %dma_wait3A_49 = tpu.memref_slice %arg5[%arg0, %dma_wait3A, %dma_wait3A_48] : memref<2x10000x64xf32, #tpu.memory_space<hbm>> -> memref<1x640x64xf32, #tpu.memory_space<hbm>>
        %dma_wait3A_50 = tpu.memref_squeeze %dma_wait3A_49 : memref<1x640x64xf32, #tpu.memory_space<hbm>> -> memref<640x64xf32, #tpu.memory_space<hbm>>
        %dma_wait3A_51 = arith.constant 9360 : i32
        %dma_wait3A_52 = arith.constant 0 : i32
        %dma_wait3A_53 = tpu.memref_slice %arg9[%dma_wait3A_51, %dma_wait3A_52] : memref<10240x64xf32, #tpu.memory_space<vmem_shared>> -> memref<640x64xf32, #tpu.memory_space<vmem_shared>>
        tpu.wait_dma2 semaphore(%run_scoped3A : memref<!tpu.dma_semaphore, #tpu.memory_space<semaphore_mem>>) src(%dma_wait3A_53 : memref<640x64xf32, #tpu.memory_space<vmem_shared>>) dst(%dma_wait3A_50 : memref<640x64xf32, #tpu.memory_space<hbm>>)
        tpu.yield
      }) : () -> ()
    } else {
    }
    return
  }
}

#map = affine_map<(d0, d1) -> (0, 0)>
#map1 = affine_map<(d0, d1) -> (0, 0, 0)>
module attributes {stable_mosaic.version = 14 : i64} {
  func.func @k(%arg0: i32, %arg1: i32, %arg2: memref<10000x64xf32, #tpu.memory_space<hbm>>, %arg3: memref<32x79x128xi32, #tpu.memory_space<hbm>>, %arg4: memref<32x79x128xi32, #tpu.memory_space<hbm>>, %arg5: memref<2x10000x64xf32, #tpu.memory_space<hbm>>, %arg6: memref<79x128xi32, #tpu.memory_space<vmem>>, %arg7: memref<79x128xi32, #tpu.memory_space<vmem>>, %arg8: memref<128x64xf32, #tpu.memory_space<vmem>>, %arg9: memref<10240x64xf32, #tpu.memory_space<vmem_shared>>, %arg10: memref<!tpu.dma_semaphore, #tpu.memory_space<semaphore_mem>>) attributes {dimension_semantics = [#tpu.dimension_semantics<core_parallel>, #tpu.dimension_semantics<subcore_parallel>], iteration_bounds = array<i64: 2, 16>, scalar_prefetch = 0 : i64, scratch_operands = 5 : i64, tpu.core_type = #tpu.core_type<sc_vector_subcore>, window_params = [{transform_indices = #map}, {transform_indices = #map1}, {transform_indices = #map1}, {transform_indices = #map1}]} {
    %mul3A = arith.constant 2 : i32
    %mul3A_0 = arith.muli %arg1, %mul3A : i32
    %add3A = arith.addi %mul3A_0, %arg0 : i32
    %broadcast_in_dim3A = arith.constant 0.000000e+00 : f32
    %broadcast_in_dim3A_1 = vector.broadcast %broadcast_in_dim3A : f32 to vector<16xf32>
    %scan3A = arith.constant 0 : i32
    %scan3A_2 = arith.constant 0 : i32
    %scan3A_3 = arith.constant 128 : i32
    %scan3A_4 = arith.addi %scan3A_2, %scan3A_3 : i32
    %scan3A_5 = arith.constant 1 : i32
    scf.for %scan3A_42 = %scan3A_2 to %scan3A_4 step %scan3A_5  : i32 {
      %swap3A = arith.index_cast %scan3A_42 : i32 to index
      %swap3A_43 = arith.constant 0 : index
      %swap3A_44 = tpu.vector_load %arg8[%swap3A, %swap3A_43] {strides = array<i32>} : memref<128x64xf32, #tpu.memory_space<vmem>>, vector<1x16xf32>,
      %swap3A_45 = vector.shape_cast %swap3A_44 : vector<1x16xf32> to vector<16xf32>
      %swap3A_46 = vector.shape_cast %broadcast_in_dim3A_1 : vector<16xf32> to vector<1x16xf32>
      tpu.vector_store %arg8[%swap3A, %swap3A_43], %swap3A_46 {strides = array<i32>} : memref<128x64xf32, #tpu.memory_space<vmem>>, vector<1x16xf32>,
      %swap3A_47 = arith.index_cast %scan3A_42 : i32 to index
      %swap3A_48 = arith.constant 16 : index
      %swap3A_49 = tpu.vector_load %arg8[%swap3A_47, %swap3A_48] {strides = array<i32>} : memref<128x64xf32, #tpu.memory_space<vmem>>, vector<1x16xf32>,
      %swap3A_50 = vector.shape_cast %swap3A_49 : vector<1x16xf32> to vector<16xf32>
      %swap3A_51 = vector.shape_cast %broadcast_in_dim3A_1 : vector<16xf32> to vector<1x16xf32>
      tpu.vector_store %arg8[%swap3A_47, %swap3A_48], %swap3A_51 {strides = array<i32>} : memref<128x64xf32, #tpu.memory_space<vmem>>, vector<1x16xf32>,
      %swap3A_52 = arith.index_cast %scan3A_42 : i32 to index
      %swap3A_53 = arith.constant 32 : index
      %swap3A_54 = tpu.vector_load %arg8[%swap3A_52, %swap3A_53] {strides = array<i32>} : memref<128x64xf32, #tpu.memory_space<vmem>>, vector<1x16xf32>,
      %swap3A_55 = vector.shape_cast %swap3A_54 : vector<1x16xf32> to vector<16xf32>
      %swap3A_56 = vector.shape_cast %broadcast_in_dim3A_1 : vector<16xf32> to vector<1x16xf32>
      tpu.vector_store %arg8[%swap3A_52, %swap3A_53], %swap3A_56 {strides = array<i32>} : memref<128x64xf32, #tpu.memory_space<vmem>>, vector<1x16xf32>,
      %swap3A_57 = arith.index_cast %scan3A_42 : i32 to index
      %swap3A_58 = arith.constant 48 : index
      %swap3A_59 = tpu.vector_load %arg8[%swap3A_57, %swap3A_58] {strides = array<i32>} : memref<128x64xf32, #tpu.memory_space<vmem>>, vector<1x16xf32>,
      %swap3A_60 = vector.shape_cast %swap3A_59 : vector<1x16xf32> to vector<16xf32>
      %swap3A_61 = vector.shape_cast %broadcast_in_dim3A_1 : vector<16xf32> to vector<1x16xf32>
      tpu.vector_store %arg8[%swap3A_57, %swap3A_58], %swap3A_61 {strides = array<i32>} : memref<128x64xf32, #tpu.memory_space<vmem>>, vector<1x16xf32>,
    }
    %scan3A_6 = arith.constant 128 : i32
    %mul3A_7 = arith.constant 640 : i32
    %mul3A_8 = arith.muli %arg1, %mul3A_7 : i32
    %add3A_9 = arith.constant 0 : i32
    %add3A_10 = arith.addi %mul3A_8, %add3A_9 : i32
    "tpu.region"() ({
      %run_scoped3A = tpu.sem_alloc : memref<!tpu.dma_semaphore, #tpu.memory_space<semaphore_mem>>
      %dma_start3A = arith.constant 0 : i32
      %dma_start3A_42 = tpu.memref_slice %arg9[%add3A_10, %dma_start3A] : memref<10240x64xf32, #tpu.memory_space<vmem_shared>> -> memref<128x64xf32, #tpu.memory_space<vmem_shared>>
      %dma_start3A_43 = arith.constant 0 : i32
      %dma_start3A_44 = tpu.memref_slice %arg9[%add3A_10, %dma_start3A_43] : memref<10240x64xf32, #tpu.memory_space<vmem_shared>> -> memref<128x64xf32, #tpu.memory_space<vmem_shared>>
      tpu.enqueue_dma source(%arg8 : memref<128x64xf32, #tpu.memory_space<vmem>>) target(%dma_start3A_44 : memref<128x64xf32, #tpu.memory_space<vmem_shared>>) target_semaphore(%run_scoped3A : memref<!tpu.dma_semaphore, #tpu.memory_space<semaphore_mem>>)
      %dma_wait3A = arith.constant 0 : i32
      %dma_wait3A_45 = tpu.memref_slice %arg9[%add3A_10, %dma_wait3A] : memref<10240x64xf32, #tpu.memory_space<vmem_shared>> -> memref<128x64xf32, #tpu.memory_space<vmem_shared>>
      %dma_wait3A_46 = arith.constant 0 : i32
      %dma_wait3A_47 = tpu.memref_slice %arg9[%add3A_10, %dma_wait3A_46] : memref<10240x64xf32, #tpu.memory_space<vmem_shared>> -> memref<128x64xf32, #tpu.memory_space<vmem_shared>>
      tpu.wait_dma2 semaphore(%run_scoped3A : memref<!tpu.dma_semaphore, #tpu.memory_space<semaphore_mem>>) src(%arg8 : memref<128x64xf32, #tpu.memory_space<vmem>>) dst(%dma_wait3A_47 : memref<128x64xf32, #tpu.memory_space<vmem_shared>>)
      tpu.yield
    }) : () -> ()
    %mul3A_11 = arith.constant 640 : i32
    %mul3A_12 = arith.muli %arg1, %mul3A_11 : i32
    %add3A_13 = arith.constant 128 : i32
    %add3A_14 = arith.addi %mul3A_12, %add3A_13 : i32
    "tpu.region"() ({
      %run_scoped3A = tpu.sem_alloc : memref<!tpu.dma_semaphore, #tpu.memory_space<semaphore_mem>>
      %dma_start3A = arith.constant 0 : i32
      %dma_start3A_42 = tpu.memref_slice %arg9[%add3A_14, %dma_start3A] : memref<10240x64xf32, #tpu.memory_space<vmem_shared>> -> memref<128x64xf32, #tpu.memory_space<vmem_shared>>
      %dma_start3A_43 = arith.constant 0 : i32
      %dma_start3A_44 = tpu.memref_slice %arg9[%add3A_14, %dma_start3A_43] : memref<10240x64xf32, #tpu.memory_space<vmem_shared>> -> memref<128x64xf32, #tpu.memory_space<vmem_shared>>
      tpu.enqueue_dma source(%arg8 : memref<128x64xf32, #tpu.memory_space<vmem>>) target(%dma_start3A_44 : memref<128x64xf32, #tpu.memory_space<vmem_shared>>) target_semaphore(%run_scoped3A : memref<!tpu.dma_semaphore, #tpu.memory_space<semaphore_mem>>)
      %dma_wait3A = arith.constant 0 : i32
      %dma_wait3A_45 = tpu.memref_slice %arg9[%add3A_14, %dma_wait3A] : memref<10240x64xf32, #tpu.memory_space<vmem_shared>> -> memref<128x64xf32, #tpu.memory_space<vmem_shared>>
      %dma_wait3A_46 = arith.constant 0 : i32
      %dma_wait3A_47 = tpu.memref_slice %arg9[%add3A_14, %dma_wait3A_46] : memref<10240x64xf32, #tpu.memory_space<vmem_shared>> -> memref<128x64xf32, #tpu.memory_space<vmem_shared>>
      tpu.wait_dma2 semaphore(%run_scoped3A : memref<!tpu.dma_semaphore, #tpu.memory_space<semaphore_mem>>) src(%arg8 : memref<128x64xf32, #tpu.memory_space<vmem>>) dst(%dma_wait3A_47 : memref<128x64xf32, #tpu.memory_space<vmem_shared>>)
      tpu.yield
    }) : () -> ()
    %mul3A_15 = arith.constant 640 : i32
    %mul3A_16 = arith.muli %arg1, %mul3A_15 : i32
    %add3A_17 = arith.constant 256 : i32
    %add3A_18 = arith.addi %mul3A_16, %add3A_17 : i32
    "tpu.region"() ({
      %run_scoped3A = tpu.sem_alloc : memref<!tpu.dma_semaphore, #tpu.memory_space<semaphore_mem>>
      %dma_start3A = arith.constant 0 : i32
      %dma_start3A_42 = tpu.memref_slice %arg9[%add3A_18, %dma_start3A] : memref<10240x64xf32, #tpu.memory_space<vmem_shared>> -> memref<128x64xf32, #tpu.memory_space<vmem_shared>>
      %dma_start3A_43 = arith.constant 0 : i32
      %dma_start3A_44 = tpu.memref_slice %arg9[%add3A_18, %dma_start3A_43] : memref<10240x64xf32, #tpu.memory_space<vmem_shared>> -> memref<128x64xf32, #tpu.memory_space<vmem_shared>>
      tpu.enqueue_dma source(%arg8 : memref<128x64xf32, #tpu.memory_space<vmem>>) target(%dma_start3A_44 : memref<128x64xf32, #tpu.memory_space<vmem_shared>>) target_semaphore(%run_scoped3A : memref<!tpu.dma_semaphore, #tpu.memory_space<semaphore_mem>>)
      %dma_wait3A = arith.constant 0 : i32
      %dma_wait3A_45 = tpu.memref_slice %arg9[%add3A_18, %dma_wait3A] : memref<10240x64xf32, #tpu.memory_space<vmem_shared>> -> memref<128x64xf32, #tpu.memory_space<vmem_shared>>
      %dma_wait3A_46 = arith.constant 0 : i32
      %dma_wait3A_47 = tpu.memref_slice %arg9[%add3A_18, %dma_wait3A_46] : memref<10240x64xf32, #tpu.memory_space<vmem_shared>> -> memref<128x64xf32, #tpu.memory_space<vmem_shared>>
      tpu.wait_dma2 semaphore(%run_scoped3A : memref<!tpu.dma_semaphore, #tpu.memory_space<semaphore_mem>>) src(%arg8 : memref<128x64xf32, #tpu.memory_space<vmem>>) dst(%dma_wait3A_47 : memref<128x64xf32, #tpu.memory_space<vmem_shared>>)
      tpu.yield
    }) : () -> ()
    %mul3A_19 = arith.constant 640 : i32
    %mul3A_20 = arith.muli %arg1, %mul3A_19 : i32
    %add3A_21 = arith.constant 384 : i32
    %add3A_22 = arith.addi %mul3A_20, %add3A_21 : i32
    "tpu.region"() ({
      %run_scoped3A = tpu.sem_alloc : memref<!tpu.dma_semaphore, #tpu.memory_space<semaphore_mem>>
      %dma_start3A = arith.constant 0 : i32
      %dma_start3A_42 = tpu.memref_slice %arg9[%add3A_22, %dma_start3A] : memref<10240x64xf32, #tpu.memory_space<vmem_shared>> -> memref<128x64xf32, #tpu.memory_space<vmem_shared>>
      %dma_start3A_43 = arith.constant 0 : i32
      %dma_start3A_44 = tpu.memref_slice %arg9[%add3A_22, %dma_start3A_43] : memref<10240x64xf32, #tpu.memory_space<vmem_shared>> -> memref<128x64xf32, #tpu.memory_space<vmem_shared>>
      tpu.enqueue_dma source(%arg8 : memref<128x64xf32, #tpu.memory_space<vmem>>) target(%dma_start3A_44 : memref<128x64xf32, #tpu.memory_space<vmem_shared>>) target_semaphore(%run_scoped3A : memref<!tpu.dma_semaphore, #tpu.memory_space<semaphore_mem>>)
      %dma_wait3A = arith.constant 0 : i32
      %dma_wait3A_45 = tpu.memref_slice %arg9[%add3A_22, %dma_wait3A] : memref<10240x64xf32, #tpu.memory_space<vmem_shared>> -> memref<128x64xf32, #tpu.memory_space<vmem_shared>>
      %dma_wait3A_46 = arith.constant 0 : i32
      %dma_wait3A_47 = tpu.memref_slice %arg9[%add3A_22, %dma_wait3A_46] : memref<10240x64xf32, #tpu.memory_space<vmem_shared>> -> memref<128x64xf32, #tpu.memory_space<vmem_shared>>
      tpu.wait_dma2 semaphore(%run_scoped3A : memref<!tpu.dma_semaphore, #tpu.memory_space<semaphore_mem>>) src(%arg8 : memref<128x64xf32, #tpu.memory_space<vmem>>) dst(%dma_wait3A_47 : memref<128x64xf32, #tpu.memory_space<vmem_shared>>)
      tpu.yield
    }) : () -> ()
    %mul3A_23 = arith.constant 640 : i32
    %mul3A_24 = arith.muli %arg1, %mul3A_23 : i32
    %add3A_25 = arith.constant 512 : i32
    %add3A_26 = arith.addi %mul3A_24, %add3A_25 : i32
    "tpu.region"() ({
      %run_scoped3A = tpu.sem_alloc : memref<!tpu.dma_semaphore, #tpu.memory_space<semaphore_mem>>
      %dma_start3A = arith.constant 0 : i32
      %dma_start3A_42 = tpu.memref_slice %arg9[%add3A_26, %dma_start3A] : memref<10240x64xf32, #tpu.memory_space<vmem_shared>> -> memref<128x64xf32, #tpu.memory_space<vmem_shared>>
      %dma_start3A_43 = arith.constant 0 : i32
      %dma_start3A_44 = tpu.memref_slice %arg9[%add3A_26, %dma_start3A_43] : memref<10240x64xf32, #tpu.memory_space<vmem_shared>> -> memref<128x64xf32, #tpu.memory_space<vmem_shared>>
      tpu.enqueue_dma source(%arg8 : memref<128x64xf32, #tpu.memory_space<vmem>>) target(%dma_start3A_44 : memref<128x64xf32, #tpu.memory_space<vmem_shared>>) target_semaphore(%run_scoped3A : memref<!tpu.dma_semaphore, #tpu.memory_space<semaphore_mem>>)
      %dma_wait3A = arith.constant 0 : i32
      %dma_wait3A_45 = tpu.memref_slice %arg9[%add3A_26, %dma_wait3A] : memref<10240x64xf32, #tpu.memory_space<vmem_shared>> -> memref<128x64xf32, #tpu.memory_space<vmem_shared>>
      %dma_wait3A_46 = arith.constant 0 : i32
      %dma_wait3A_47 = tpu.memref_slice %arg9[%add3A_26, %dma_wait3A_46] : memref<10240x64xf32, #tpu.memory_space<vmem_shared>> -> memref<128x64xf32, #tpu.memory_space<vmem_shared>>
      tpu.wait_dma2 semaphore(%run_scoped3A : memref<!tpu.dma_semaphore, #tpu.memory_space<semaphore_mem>>) src(%arg8 : memref<128x64xf32, #tpu.memory_space<vmem>>) dst(%dma_wait3A_47 : memref<128x64xf32, #tpu.memory_space<vmem_shared>>)
      tpu.yield
    }) : () -> ()
    "tpu.region"() ({
      %run_scoped3A = tpu.sem_alloc : memref<!tpu.dma_semaphore, #tpu.memory_space<semaphore_mem>>
      %dma_start3A = arith.constant 0 : i32
      %dma_start3A_42 = arith.constant 0 : i32
      %dma_start3A_43 = tpu.memref_slice %arg3[%add3A, %dma_start3A, %dma_start3A_42] : memref<32x79x128xi32, #tpu.memory_space<hbm>> -> memref<1x79x128xi32, #tpu.memory_space<hbm>>
      %dma_start3A_44 = tpu.memref_squeeze %dma_start3A_43 : memref<1x79x128xi32, #tpu.memory_space<hbm>> -> memref<79x128xi32, #tpu.memory_space<hbm>>
      %dma_start3A_45 = arith.constant 0 : i32
      %dma_start3A_46 = arith.constant 0 : i32
      %dma_start3A_47 = tpu.memref_slice %arg3[%add3A, %dma_start3A_45, %dma_start3A_46] : memref<32x79x128xi32, #tpu.memory_space<hbm>> -> memref<1x79x128xi32, #tpu.memory_space<hbm>>
      %dma_start3A_48 = tpu.memref_squeeze %dma_start3A_47 : memref<1x79x128xi32, #tpu.memory_space<hbm>> -> memref<79x128xi32, #tpu.memory_space<hbm>>
      tpu.enqueue_dma source(%dma_start3A_48 : memref<79x128xi32, #tpu.memory_space<hbm>>) target(%arg6 : memref<79x128xi32, #tpu.memory_space<vmem>>) target_semaphore(%run_scoped3A : memref<!tpu.dma_semaphore, #tpu.memory_space<semaphore_mem>>)
      %dma_wait3A = arith.constant 0 : i32
      %dma_wait3A_49 = arith.constant 0 : i32
      %dma_wait3A_50 = tpu.memref_slice %arg3[%add3A, %dma_wait3A, %dma_wait3A_49] : memref<32x79x128xi32, #tpu.memory_space<hbm>> -> memref<1x79x128xi32, #tpu.memory_space<hbm>>
      %dma_wait3A_51 = tpu.memref_squeeze %dma_wait3A_50 : memref<1x79x128xi32, #tpu.memory_space<hbm>> -> memref<79x128xi32, #tpu.memory_space<hbm>>
      %dma_wait3A_52 = arith.constant 0 : i32
      %dma_wait3A_53 = arith.constant 0 : i32
      %dma_wait3A_54 = tpu.memref_slice %arg3[%add3A, %dma_wait3A_52, %dma_wait3A_53] : memref<32x79x128xi32, #tpu.memory_space<hbm>> -> memref<1x79x128xi32, #tpu.memory_space<hbm>>
      %dma_wait3A_55 = tpu.memref_squeeze %dma_wait3A_54 : memref<1x79x128xi32, #tpu.memory_space<hbm>> -> memref<79x128xi32, #tpu.memory_space<hbm>>
      tpu.wait_dma2 semaphore(%run_scoped3A : memref<!tpu.dma_semaphore, #tpu.memory_space<semaphore_mem>>) src(%dma_wait3A_55 : memref<79x128xi32, #tpu.memory_space<hbm>>) dst(%arg6 : memref<79x128xi32, #tpu.memory_space<vmem>>)
      tpu.yield
    }) : () -> ()
    "tpu.region"() ({
      %run_scoped3A = tpu.sem_alloc : memref<!tpu.dma_semaphore, #tpu.memory_space<semaphore_mem>>
      %dma_start3A = arith.constant 0 : i32
      %dma_start3A_42 = arith.constant 0 : i32
      %dma_start3A_43 = tpu.memref_slice %arg4[%add3A, %dma_start3A, %dma_start3A_42] : memref<32x79x128xi32, #tpu.memory_space<hbm>> -> memref<1x79x128xi32, #tpu.memory_space<hbm>>
      %dma_start3A_44 = tpu.memref_squeeze %dma_start3A_43 : memref<1x79x128xi32, #tpu.memory_space<hbm>> -> memref<79x128xi32, #tpu.memory_space<hbm>>
      %dma_start3A_45 = arith.constant 0 : i32
      %dma_start3A_46 = arith.constant 0 : i32
      %dma_start3A_47 = tpu.memref_slice %arg4[%add3A, %dma_start3A_45, %dma_start3A_46] : memref<32x79x128xi32, #tpu.memory_space<hbm>> -> memref<1x79x128xi32, #tpu.memory_space<hbm>>
      %dma_start3A_48 = tpu.memref_squeeze %dma_start3A_47 : memref<1x79x128xi32, #tpu.memory_space<hbm>> -> memref<79x128xi32, #tpu.memory_space<hbm>>
      tpu.enqueue_dma source(%dma_start3A_48 : memref<79x128xi32, #tpu.memory_space<hbm>>) target(%arg7 : memref<79x128xi32, #tpu.memory_space<vmem>>) target_semaphore(%run_scoped3A : memref<!tpu.dma_semaphore, #tpu.memory_space<semaphore_mem>>)
      %dma_wait3A = arith.constant 0 : i32
      %dma_wait3A_49 = arith.constant 0 : i32
      %dma_wait3A_50 = tpu.memref_slice %arg4[%add3A, %dma_wait3A, %dma_wait3A_49] : memref<32x79x128xi32, #tpu.memory_space<hbm>> -> memref<1x79x128xi32, #tpu.memory_space<hbm>>
      %dma_wait3A_51 = tpu.memref_squeeze %dma_wait3A_50 : memref<1x79x128xi32, #tpu.memory_space<hbm>> -> memref<79x128xi32, #tpu.memory_space<hbm>>
      %dma_wait3A_52 = arith.constant 0 : i32
      %dma_wait3A_53 = arith.constant 0 : i32
      %dma_wait3A_54 = tpu.memref_slice %arg4[%add3A, %dma_wait3A_52, %dma_wait3A_53] : memref<32x79x128xi32, #tpu.memory_space<hbm>> -> memref<1x79x128xi32, #tpu.memory_space<hbm>>
      %dma_wait3A_55 = tpu.memref_squeeze %dma_wait3A_54 : memref<1x79x128xi32, #tpu.memory_space<hbm>> -> memref<79x128xi32, #tpu.memory_space<hbm>>
      tpu.wait_dma2 semaphore(%run_scoped3A : memref<!tpu.dma_semaphore, #tpu.memory_space<semaphore_mem>>) src(%dma_wait3A_55 : memref<79x128xi32, #tpu.memory_space<hbm>>) dst(%arg7 : memref<79x128xi32, #tpu.memory_space<vmem>>)
      tpu.yield
    }) : () -> ()
    %barrier3A = arith.constant 0 : index
    tpu.barrier barrier_id(%barrier3A)
    %scan3A_27 = arith.constant 0 : i32
    %scan3A_28 = arith.constant 0 : i32
    %scan3A_29 = arith.constant 79 : i32
    %scan3A_30 = arith.addi %scan3A_28, %scan3A_29 : i32
    %scan3A_31 = arith.constant 1 : i32
    scf.for %scan3A_42 = %scan3A_28 to %scan3A_30 step %scan3A_31  : i32 {
      %dma_start3A = arith.constant 0 : i32
      %dma_start3A_43 = tpu.memref_slice %arg6[%scan3A_42, %dma_start3A] : memref<79x128xi32, #tpu.memory_space<vmem>> -> memref<1x128xi32, #tpu.memory_space<vmem>>
      %dma_start3A_44 = tpu.memref_squeeze %dma_start3A_43 : memref<1x128xi32, #tpu.memory_space<vmem>> -> memref<128xi32, #tpu.memory_space<vmem>>
      %dma_start3A_45 = arith.constant 0 : i32
      %dma_start3A_46 = arith.constant 0 : i32
      %dma_start3A_47 = tpu.memref_slice %arg2[%dma_start3A_45, %dma_start3A_46] : memref<10000x64xf32, #tpu.memory_space<hbm>> -> memref<10000x64xf32, #tpu.memory_space<hbm>>
      tpu.enqueue_indirect_dma source(%dma_start3A_47 : memref<10000x64xf32, #tpu.memory_space<hbm>>) target(%arg8 : memref<128x64xf32, #tpu.memory_space<vmem>>) offsets(%dma_start3A_44 : memref<128xi32, #tpu.memory_space<vmem>>) semaphore(%arg10 : memref<!tpu.dma_semaphore, #tpu.memory_space<semaphore_mem>>)
      %dma_wait3A = arith.constant 0 : i32
      %dma_wait3A_48 = tpu.memref_slice %arg6[%scan3A_42, %dma_wait3A] : memref<79x128xi32, #tpu.memory_space<vmem>> -> memref<1x128xi32, #tpu.memory_space<vmem>>
      %dma_wait3A_49 = tpu.memref_squeeze %dma_wait3A_48 : memref<1x128xi32, #tpu.memory_space<vmem>> -> memref<128xi32, #tpu.memory_space<vmem>>
      %dma_wait3A_50 = arith.constant 0 : i32
      %dma_wait3A_51 = arith.constant 0 : i32
      %dma_wait3A_52 = tpu.memref_slice %arg2[%dma_wait3A_50, %dma_wait3A_51] : memref<10000x64xf32, #tpu.memory_space<hbm>> -> memref<10000x64xf32, #tpu.memory_space<hbm>>
      tpu.wait_indirect_dma semaphore(%arg10 : memref<!tpu.dma_semaphore, #tpu.memory_space<semaphore_mem>>) src(%dma_wait3A_52 : memref<10000x64xf32, #tpu.memory_space<hbm>>) dst(%arg8 : memref<128x64xf32, #tpu.memory_space<vmem>>)
      "tpu.region"() ({
        %run_scoped3A = tpu.sem_alloc : memref<!tpu.dma_semaphore, #tpu.memory_space<semaphore_mem>>
        %dma_start3A_53 = arith.constant 0 : i32
        %dma_start3A_54 = tpu.memref_slice %arg7[%scan3A_42, %dma_start3A_53] : memref<79x128xi32, #tpu.memory_space<vmem>> -> memref<1x128xi32, #tpu.memory_space<vmem>>
        %dma_start3A_55 = tpu.memref_squeeze %dma_start3A_54 : memref<1x128xi32, #tpu.memory_space<vmem>> -> memref<128xi32, #tpu.memory_space<vmem>>
        %dma_start3A_56 = arith.constant 0 : i32
        %dma_start3A_57 = arith.constant 0 : i32
        %dma_start3A_58 = tpu.memref_slice %arg9[%dma_start3A_56, %dma_start3A_57] : memref<10240x64xf32, #tpu.memory_space<vmem_shared>> -> memref<10240x64xf32, #tpu.memory_space<vmem_shared>>
        tpu.enqueue_indirect_dma source(%arg8 : memref<128x64xf32, #tpu.memory_space<vmem>>) target(%dma_start3A_58 : memref<10240x64xf32, #tpu.memory_space<vmem_shared>>) offsets(%dma_start3A_55 : memref<128xi32, #tpu.memory_space<vmem>>) semaphore(%run_scoped3A : memref<!tpu.dma_semaphore, #tpu.memory_space<semaphore_mem>>) {add = true}
        %dma_wait3A_59 = arith.constant 0 : i32
        %dma_wait3A_60 = tpu.memref_slice %arg7[%scan3A_42, %dma_wait3A_59] : memref<79x128xi32, #tpu.memory_space<vmem>> -> memref<1x128xi32, #tpu.memory_space<vmem>>
        %dma_wait3A_61 = tpu.memref_squeeze %dma_wait3A_60 : memref<1x128xi32, #tpu.memory_space<vmem>> -> memref<128xi32, #tpu.memory_space<vmem>>
        %dma_wait3A_62 = arith.constant 0 : i32
        %dma_wait3A_63 = arith.constant 0 : i32
        %dma_wait3A_64 = tpu.memref_slice %arg9[%dma_wait3A_62, %dma_wait3A_63] : memref<10240x64xf32, #tpu.memory_space<vmem_shared>> -> memref<10240x64xf32, #tpu.memory_space<vmem_shared>>
        tpu.wait_indirect_dma semaphore(%run_scoped3A : memref<!tpu.dma_semaphore, #tpu.memory_space<semaphore_mem>>) src(%arg8 : memref<128x64xf32, #tpu.memory_space<vmem>>) dst(%dma_wait3A_64 : memref<10240x64xf32, #tpu.memory_space<vmem_shared>>)
        tpu.yield
      }) : () -> ()
    }
    %scan3A_32 = arith.constant 79 : i32
    %barrier3A_33 = arith.constant 0 : index
    tpu.barrier barrier_id(%barrier3A_33)
    %mul3A_34 = arith.constant 624 : i32
    %mul3A_35 = arith.muli %arg1, %mul3A_34 : i32
    %multiple_of3A = tpu.assume_multiple %mul3A_35, 8 : i32
    %lt3A = arith.constant 15 : i32
    %lt3A_36 = arith.cmpi slt, %arg1, %lt3A : i32
    %convert_element_type3A = arith.extui %lt3A_36 : i1 to i32
    %cond3A = arith.constant 0 : i32
    %cond3A_37 = arith.cmpi ne, %convert_element_type3A, %cond3A : i32
    scf.if %cond3A_37 {
      "tpu.region"() ({
        %run_scoped3A = tpu.sem_alloc : memref<!tpu.dma_semaphore, #tpu.memory_space<semaphore_mem>>
        %dma_start3A = arith.constant 0 : i32
        %dma_start3A_42 = tpu.memref_slice %arg5[%arg0, %multiple_of3A, %dma_start3A] : memref<2x10000x64xf32, #tpu.memory_space<hbm>> -> memref<1x624x64xf32, #tpu.memory_space<hbm>>
        %dma_start3A_43 = tpu.memref_squeeze %dma_start3A_42 : memref<1x624x64xf32, #tpu.memory_space<hbm>> -> memref<624x64xf32, #tpu.memory_space<hbm>>
        %dma_start3A_44 = arith.constant 0 : i32
        %dma_start3A_45 = tpu.memref_slice %arg9[%multiple_of3A, %dma_start3A_44] : memref<10240x64xf32, #tpu.memory_space<vmem_shared>> -> memref<624x64xf32, #tpu.memory_space<vmem_shared>>
        tpu.enqueue_dma source(%dma_start3A_45 : memref<624x64xf32, #tpu.memory_space<vmem_shared>>) target(%dma_start3A_43 : memref<624x64xf32, #tpu.memory_space<hbm>>) target_semaphore(%run_scoped3A : memref<!tpu.dma_semaphore, #tpu.memory_space<semaphore_mem>>)
        %dma_wait3A = arith.constant 0 : i32
        %dma_wait3A_46 = tpu.memref_slice %arg5[%arg0, %multiple_of3A, %dma_wait3A] : memref<2x10000x64xf32, #tpu.memory_space<hbm>> -> memref<1x624x64xf32, #tpu.memory_space<hbm>>
        %dma_wait3A_47 = tpu.memref_squeeze %dma_wait3A_46 : memref<1x624x64xf32, #tpu.memory_space<hbm>> -> memref<624x64xf32, #tpu.memory_space<hbm>>
        %dma_wait3A_48 = arith.constant 0 : i32
        %dma_wait3A_49 = tpu.memref_slice %arg9[%multiple_of3A, %dma_wait3A_48] : memref<10240x64xf32, #tpu.memory_space<vmem_shared>> -> memref<624x64xf32, #tpu.memory_space<vmem_shared>>
        tpu.wait_dma2 semaphore(%run_scoped3A : memref<!tpu.dma_semaphore, #tpu.memory_space<semaphore_mem>>) src(%dma_wait3A_49 : memref<624x64xf32, #tpu.memory_space<vmem_shared>>) dst(%dma_wait3A_47 : memref<624x64xf32, #tpu.memory_space<hbm>>)
        tpu.yield
      }) : () -> ()
    } else {
    }
    %eq3A = arith.constant 15 : i32
    %eq3A_38 = arith.cmpi eq, %arg1, %eq3A : i32
    %convert_element_type3A_39 = arith.extui %eq3A_38 : i1 to i32
    %cond3A_40 = arith.constant 0 : i32
    %cond3A_41 = arith.cmpi ne, %convert_element_type3A_39, %cond3A_40 : i32
    scf.if %cond3A_41 {
      "tpu.region"() ({
        %run_scoped3A = tpu.sem_alloc : memref<!tpu.dma_semaphore, #tpu.memory_space<semaphore_mem>>
        %dma_start3A = arith.constant 9360 : i32
        %dma_start3A_42 = arith.constant 0 : i32
        %dma_start3A_43 = tpu.memref_slice %arg5[%arg0, %dma_start3A, %dma_start3A_42] : memref<2x10000x64xf32, #tpu.memory_space<hbm>> -> memref<1x640x64xf32, #tpu.memory_space<hbm>>
        %dma_start3A_44 = tpu.memref_squeeze %dma_start3A_43 : memref<1x640x64xf32, #tpu.memory_space<hbm>> -> memref<640x64xf32, #tpu.memory_space<hbm>>
        %dma_start3A_45 = arith.constant 9360 : i32
        %dma_start3A_46 = arith.constant 0 : i32
        %dma_start3A_47 = tpu.memref_slice %arg9[%dma_start3A_45, %dma_start3A_46] : memref<10240x64xf32, #tpu.memory_space<vmem_shared>> -> memref<640x64xf32, #tpu.memory_space<vmem_shared>>
        tpu.enqueue_dma source(%dma_start3A_47 : memref<640x64xf32, #tpu.memory_space<vmem_shared>>) target(%dma_start3A_44 : memref<640x64xf32, #tpu.memory_space<hbm>>) target_semaphore(%run_scoped3A : memref<!tpu.dma_semaphore, #tpu.memory_space<semaphore_mem>>)
        %dma_wait3A = arith.constant 9360 : i32
        %dma_wait3A_48 = arith.constant 0 : i32
        %dma_wait3A_49 = tpu.memref_slice %arg5[%arg0, %dma_wait3A, %dma_wait3A_48] : memref<2x10000x64xf32, #tpu.memory_space<hbm>> -> memref<1x640x64xf32, #tpu.memory_space<hbm>>
        %dma_wait3A_50 = tpu.memref_squeeze %dma_wait3A_49 : memref<1x640x64xf32, #tpu.memory_space<hbm>> -> memref<640x64xf32, #tpu.memory_space<hbm>>
        %dma_wait3A_51 = arith.constant 9360 : i32
        %dma_wait3A_52 = arith.constant 0 : i32
        %dma_wait3A_53 = tpu.memref_slice %arg9[%dma_wait3A_51, %dma_wait3A_52] : memref<10240x64xf32, #tpu.memory_space<vmem_shared>> -> memref<640x64xf32, #tpu.memory_space<vmem_shared>>
        tpu.wait_dma2 semaphore(%run_scoped3A : memref<!tpu.dma_semaphore, #tpu.memory_space<semaphore_mem>>) src(%dma_wait3A_53 : memref<640x64xf32, #tpu.memory_space<vmem_shared>>) dst(%dma_wait3A_50 : memref<640x64xf32, #tpu.memory_space<hbm>>)
        tpu.yield
      }) : () -> ()
    } else {
    }
    return
  }
}

#map = affine_map<(d0, d1) -> (0, 0)>
#map1 = affine_map<(d0, d1) -> (0, 0, 0)>
module attributes {stable_mosaic.version = 14 : i64} {
  func.func @k(%arg0: i32, %arg1: i32, %arg2: memref<10000x64xf32, #tpu.memory_space<hbm>>, %arg3: memref<32x79x128xi32, #tpu.memory_space<hbm>>, %arg4: memref<32x79x128xi32, #tpu.memory_space<hbm>>, %arg5: memref<2x10000x64xf32, #tpu.memory_space<hbm>>, %arg6: memref<79x128xi32, #tpu.memory_space<vmem>>, %arg7: memref<79x128xi32, #tpu.memory_space<vmem>>, %arg8: memref<128x64xf32, #tpu.memory_space<vmem>>, %arg9: memref<10240x64xf32, #tpu.memory_space<vmem_shared>>, %arg10: memref<!tpu.dma_semaphore, #tpu.memory_space<semaphore_mem>>) attributes {dimension_semantics = [#tpu.dimension_semantics<core_parallel>, #tpu.dimension_semantics<subcore_parallel>], iteration_bounds = array<i64: 2, 16>, scalar_prefetch = 0 : i64, scratch_operands = 5 : i64, tpu.core_type = #tpu.core_type<sc_vector_subcore>, window_params = [{transform_indices = #map}, {transform_indices = #map1}, {transform_indices = #map1}, {transform_indices = #map1}]} {
    %mul3A = arith.constant 2 : i32
    %mul3A_0 = arith.muli %arg1, %mul3A : i32
    %add3A = arith.addi %mul3A_0, %arg0 : i32
    %broadcast_in_dim3A = arith.constant 0.000000e+00 : f32
    %broadcast_in_dim3A_1 = vector.broadcast %broadcast_in_dim3A : f32 to vector<16xf32>
    %scan3A = arith.constant 0 : i32
    %scan3A_2 = arith.constant 0 : i32
    %scan3A_3 = arith.constant 128 : i32
    %scan3A_4 = arith.addi %scan3A_2, %scan3A_3 : i32
    %scan3A_5 = arith.constant 1 : i32
    scf.for %scan3A_42 = %scan3A_2 to %scan3A_4 step %scan3A_5  : i32 {
      %swap3A = arith.index_cast %scan3A_42 : i32 to index
      %swap3A_43 = arith.constant 0 : index
      %swap3A_44 = tpu.vector_load %arg8[%swap3A, %swap3A_43] {strides = array<i32>} : memref<128x64xf32, #tpu.memory_space<vmem>>, vector<1x16xf32>,
      %swap3A_45 = vector.shape_cast %swap3A_44 : vector<1x16xf32> to vector<16xf32>
      %swap3A_46 = vector.shape_cast %broadcast_in_dim3A_1 : vector<16xf32> to vector<1x16xf32>
      tpu.vector_store %arg8[%swap3A, %swap3A_43], %swap3A_46 {strides = array<i32>} : memref<128x64xf32, #tpu.memory_space<vmem>>, vector<1x16xf32>,
      %swap3A_47 = arith.index_cast %scan3A_42 : i32 to index
      %swap3A_48 = arith.constant 16 : index
      %swap3A_49 = tpu.vector_load %arg8[%swap3A_47, %swap3A_48] {strides = array<i32>} : memref<128x64xf32, #tpu.memory_space<vmem>>, vector<1x16xf32>,
      %swap3A_50 = vector.shape_cast %swap3A_49 : vector<1x16xf32> to vector<16xf32>
      %swap3A_51 = vector.shape_cast %broadcast_in_dim3A_1 : vector<16xf32> to vector<1x16xf32>
      tpu.vector_store %arg8[%swap3A_47, %swap3A_48], %swap3A_51 {strides = array<i32>} : memref<128x64xf32, #tpu.memory_space<vmem>>, vector<1x16xf32>,
      %swap3A_52 = arith.index_cast %scan3A_42 : i32 to index
      %swap3A_53 = arith.constant 32 : index
      %swap3A_54 = tpu.vector_load %arg8[%swap3A_52, %swap3A_53] {strides = array<i32>} : memref<128x64xf32, #tpu.memory_space<vmem>>, vector<1x16xf32>,
      %swap3A_55 = vector.shape_cast %swap3A_54 : vector<1x16xf32> to vector<16xf32>
      %swap3A_56 = vector.shape_cast %broadcast_in_dim3A_1 : vector<16xf32> to vector<1x16xf32>
      tpu.vector_store %arg8[%swap3A_52, %swap3A_53], %swap3A_56 {strides = array<i32>} : memref<128x64xf32, #tpu.memory_space<vmem>>, vector<1x16xf32>,
      %swap3A_57 = arith.index_cast %scan3A_42 : i32 to index
      %swap3A_58 = arith.constant 48 : index
      %swap3A_59 = tpu.vector_load %arg8[%swap3A_57, %swap3A_58] {strides = array<i32>} : memref<128x64xf32, #tpu.memory_space<vmem>>, vector<1x16xf32>,
      %swap3A_60 = vector.shape_cast %swap3A_59 : vector<1x16xf32> to vector<16xf32>
      %swap3A_61 = vector.shape_cast %broadcast_in_dim3A_1 : vector<16xf32> to vector<1x16xf32>
      tpu.vector_store %arg8[%swap3A_57, %swap3A_58], %swap3A_61 {strides = array<i32>} : memref<128x64xf32, #tpu.memory_space<vmem>>, vector<1x16xf32>,
    }
    %scan3A_6 = arith.constant 128 : i32
    %mul3A_7 = arith.constant 640 : i32
    %mul3A_8 = arith.muli %arg1, %mul3A_7 : i32
    %add3A_9 = arith.constant 0 : i32
    %add3A_10 = arith.addi %mul3A_8, %add3A_9 : i32
    "tpu.region"() ({
      %run_scoped3A = tpu.sem_alloc : memref<!tpu.dma_semaphore, #tpu.memory_space<semaphore_mem>>
      %dma_start3A = arith.constant 0 : i32
      %dma_start3A_42 = tpu.memref_slice %arg9[%add3A_10, %dma_start3A] : memref<10240x64xf32, #tpu.memory_space<vmem_shared>> -> memref<128x64xf32, #tpu.memory_space<vmem_shared>>
      %dma_start3A_43 = arith.constant 0 : i32
      %dma_start3A_44 = tpu.memref_slice %arg9[%add3A_10, %dma_start3A_43] : memref<10240x64xf32, #tpu.memory_space<vmem_shared>> -> memref<128x64xf32, #tpu.memory_space<vmem_shared>>
      tpu.enqueue_dma source(%arg8 : memref<128x64xf32, #tpu.memory_space<vmem>>) target(%dma_start3A_44 : memref<128x64xf32, #tpu.memory_space<vmem_shared>>) target_semaphore(%run_scoped3A : memref<!tpu.dma_semaphore, #tpu.memory_space<semaphore_mem>>)
      %dma_wait3A = arith.constant 0 : i32
      %dma_wait3A_45 = tpu.memref_slice %arg9[%add3A_10, %dma_wait3A] : memref<10240x64xf32, #tpu.memory_space<vmem_shared>> -> memref<128x64xf32, #tpu.memory_space<vmem_shared>>
      %dma_wait3A_46 = arith.constant 0 : i32
      %dma_wait3A_47 = tpu.memref_slice %arg9[%add3A_10, %dma_wait3A_46] : memref<10240x64xf32, #tpu.memory_space<vmem_shared>> -> memref<128x64xf32, #tpu.memory_space<vmem_shared>>
      tpu.wait_dma2 semaphore(%run_scoped3A : memref<!tpu.dma_semaphore, #tpu.memory_space<semaphore_mem>>) src(%arg8 : memref<128x64xf32, #tpu.memory_space<vmem>>) dst(%dma_wait3A_47 : memref<128x64xf32, #tpu.memory_space<vmem_shared>>)
      tpu.yield
    }) : () -> ()
    %mul3A_11 = arith.constant 640 : i32
    %mul3A_12 = arith.muli %arg1, %mul3A_11 : i32
    %add3A_13 = arith.constant 128 : i32
    %add3A_14 = arith.addi %mul3A_12, %add3A_13 : i32
    "tpu.region"() ({
      %run_scoped3A = tpu.sem_alloc : memref<!tpu.dma_semaphore, #tpu.memory_space<semaphore_mem>>
      %dma_start3A = arith.constant 0 : i32
      %dma_start3A_42 = tpu.memref_slice %arg9[%add3A_14, %dma_start3A] : memref<10240x64xf32, #tpu.memory_space<vmem_shared>> -> memref<128x64xf32, #tpu.memory_space<vmem_shared>>
      %dma_start3A_43 = arith.constant 0 : i32
      %dma_start3A_44 = tpu.memref_slice %arg9[%add3A_14, %dma_start3A_43] : memref<10240x64xf32, #tpu.memory_space<vmem_shared>> -> memref<128x64xf32, #tpu.memory_space<vmem_shared>>
      tpu.enqueue_dma source(%arg8 : memref<128x64xf32, #tpu.memory_space<vmem>>) target(%dma_start3A_44 : memref<128x64xf32, #tpu.memory_space<vmem_shared>>) target_semaphore(%run_scoped3A : memref<!tpu.dma_semaphore, #tpu.memory_space<semaphore_mem>>)
      %dma_wait3A = arith.constant 0 : i32
      %dma_wait3A_45 = tpu.memref_slice %arg9[%add3A_14, %dma_wait3A] : memref<10240x64xf32, #tpu.memory_space<vmem_shared>> -> memref<128x64xf32, #tpu.memory_space<vmem_shared>>
      %dma_wait3A_46 = arith.constant 0 : i32
      %dma_wait3A_47 = tpu.memref_slice %arg9[%add3A_14, %dma_wait3A_46] : memref<10240x64xf32, #tpu.memory_space<vmem_shared>> -> memref<128x64xf32, #tpu.memory_space<vmem_shared>>
      tpu.wait_dma2 semaphore(%run_scoped3A : memref<!tpu.dma_semaphore, #tpu.memory_space<semaphore_mem>>) src(%arg8 : memref<128x64xf32, #tpu.memory_space<vmem>>) dst(%dma_wait3A_47 : memref<128x64xf32, #tpu.memory_space<vmem_shared>>)
      tpu.yield
    }) : () -> ()
    %mul3A_15 = arith.constant 640 : i32
    %mul3A_16 = arith.muli %arg1, %mul3A_15 : i32
    %add3A_17 = arith.constant 256 : i32
    %add3A_18 = arith.addi %mul3A_16, %add3A_17 : i32
    "tpu.region"() ({
      %run_scoped3A = tpu.sem_alloc : memref<!tpu.dma_semaphore, #tpu.memory_space<semaphore_mem>>
      %dma_start3A = arith.constant 0 : i32
      %dma_start3A_42 = tpu.memref_slice %arg9[%add3A_18, %dma_start3A] : memref<10240x64xf32, #tpu.memory_space<vmem_shared>> -> memref<128x64xf32, #tpu.memory_space<vmem_shared>>
      %dma_start3A_43 = arith.constant 0 : i32
      %dma_start3A_44 = tpu.memref_slice %arg9[%add3A_18, %dma_start3A_43] : memref<10240x64xf32, #tpu.memory_space<vmem_shared>> -> memref<128x64xf32, #tpu.memory_space<vmem_shared>>
      tpu.enqueue_dma source(%arg8 : memref<128x64xf32, #tpu.memory_space<vmem>>) target(%dma_start3A_44 : memref<128x64xf32, #tpu.memory_space<vmem_shared>>) target_semaphore(%run_scoped3A : memref<!tpu.dma_semaphore, #tpu.memory_space<semaphore_mem>>)
      %dma_wait3A = arith.constant 0 : i32
      %dma_wait3A_45 = tpu.memref_slice %arg9[%add3A_18, %dma_wait3A] : memref<10240x64xf32, #tpu.memory_space<vmem_shared>> -> memref<128x64xf32, #tpu.memory_space<vmem_shared>>
      %dma_wait3A_46 = arith.constant 0 : i32
      %dma_wait3A_47 = tpu.memref_slice %arg9[%add3A_18, %dma_wait3A_46] : memref<10240x64xf32, #tpu.memory_space<vmem_shared>> -> memref<128x64xf32, #tpu.memory_space<vmem_shared>>
      tpu.wait_dma2 semaphore(%run_scoped3A : memref<!tpu.dma_semaphore, #tpu.memory_space<semaphore_mem>>) src(%arg8 : memref<128x64xf32, #tpu.memory_space<vmem>>) dst(%dma_wait3A_47 : memref<128x64xf32, #tpu.memory_space<vmem_shared>>)
      tpu.yield
    }) : () -> ()
    %mul3A_19 = arith.constant 640 : i32
    %mul3A_20 = arith.muli %arg1, %mul3A_19 : i32
    %add3A_21 = arith.constant 384 : i32
    %add3A_22 = arith.addi %mul3A_20, %add3A_21 : i32
    "tpu.region"() ({
      %run_scoped3A = tpu.sem_alloc : memref<!tpu.dma_semaphore, #tpu.memory_space<semaphore_mem>>
      %dma_start3A = arith.constant 0 : i32
      %dma_start3A_42 = tpu.memref_slice %arg9[%add3A_22, %dma_start3A] : memref<10240x64xf32, #tpu.memory_space<vmem_shared>> -> memref<128x64xf32, #tpu.memory_space<vmem_shared>>
      %dma_start3A_43 = arith.constant 0 : i32
      %dma_start3A_44 = tpu.memref_slice %arg9[%add3A_22, %dma_start3A_43] : memref<10240x64xf32, #tpu.memory_space<vmem_shared>> -> memref<128x64xf32, #tpu.memory_space<vmem_shared>>
      tpu.enqueue_dma source(%arg8 : memref<128x64xf32, #tpu.memory_space<vmem>>) target(%dma_start3A_44 : memref<128x64xf32, #tpu.memory_space<vmem_shared>>) target_semaphore(%run_scoped3A : memref<!tpu.dma_semaphore, #tpu.memory_space<semaphore_mem>>)
      %dma_wait3A = arith.constant 0 : i32
      %dma_wait3A_45 = tpu.memref_slice %arg9[%add3A_22, %dma_wait3A] : memref<10240x64xf32, #tpu.memory_space<vmem_shared>> -> memref<128x64xf32, #tpu.memory_space<vmem_shared>>
      %dma_wait3A_46 = arith.constant 0 : i32
      %dma_wait3A_47 = tpu.memref_slice %arg9[%add3A_22, %dma_wait3A_46] : memref<10240x64xf32, #tpu.memory_space<vmem_shared>> -> memref<128x64xf32, #tpu.memory_space<vmem_shared>>
      tpu.wait_dma2 semaphore(%run_scoped3A : memref<!tpu.dma_semaphore, #tpu.memory_space<semaphore_mem>>) src(%arg8 : memref<128x64xf32, #tpu.memory_space<vmem>>) dst(%dma_wait3A_47 : memref<128x64xf32, #tpu.memory_space<vmem_shared>>)
      tpu.yield
    }) : () -> ()
    %mul3A_23 = arith.constant 640 : i32
    %mul3A_24 = arith.muli %arg1, %mul3A_23 : i32
    %add3A_25 = arith.constant 512 : i32
    %add3A_26 = arith.addi %mul3A_24, %add3A_25 : i32
    "tpu.region"() ({
      %run_scoped3A = tpu.sem_alloc : memref<!tpu.dma_semaphore, #tpu.memory_space<semaphore_mem>>
      %dma_start3A = arith.constant 0 : i32
      %dma_start3A_42 = tpu.memref_slice %arg9[%add3A_26, %dma_start3A] : memref<10240x64xf32, #tpu.memory_space<vmem_shared>> -> memref<128x64xf32, #tpu.memory_space<vmem_shared>>
      %dma_start3A_43 = arith.constant 0 : i32
      %dma_start3A_44 = tpu.memref_slice %arg9[%add3A_26, %dma_start3A_43] : memref<10240x64xf32, #tpu.memory_space<vmem_shared>> -> memref<128x64xf32, #tpu.memory_space<vmem_shared>>
      tpu.enqueue_dma source(%arg8 : memref<128x64xf32, #tpu.memory_space<vmem>>) target(%dma_start3A_44 : memref<128x64xf32, #tpu.memory_space<vmem_shared>>) target_semaphore(%run_scoped3A : memref<!tpu.dma_semaphore, #tpu.memory_space<semaphore_mem>>)
      %dma_wait3A = arith.constant 0 : i32
      %dma_wait3A_45 = tpu.memref_slice %arg9[%add3A_26, %dma_wait3A] : memref<10240x64xf32, #tpu.memory_space<vmem_shared>> -> memref<128x64xf32, #tpu.memory_space<vmem_shared>>
      %dma_wait3A_46 = arith.constant 0 : i32
      %dma_wait3A_47 = tpu.memref_slice %arg9[%add3A_26, %dma_wait3A_46] : memref<10240x64xf32, #tpu.memory_space<vmem_shared>> -> memref<128x64xf32, #tpu.memory_space<vmem_shared>>
      tpu.wait_dma2 semaphore(%run_scoped3A : memref<!tpu.dma_semaphore, #tpu.memory_space<semaphore_mem>>) src(%arg8 : memref<128x64xf32, #tpu.memory_space<vmem>>) dst(%dma_wait3A_47 : memref<128x64xf32, #tpu.memory_space<vmem_shared>>)
      tpu.yield
    }) : () -> ()
    "tpu.region"() ({
      %run_scoped3A = tpu.sem_alloc : memref<!tpu.dma_semaphore, #tpu.memory_space<semaphore_mem>>
      %dma_start3A = arith.constant 0 : i32
      %dma_start3A_42 = arith.constant 0 : i32
      %dma_start3A_43 = tpu.memref_slice %arg3[%add3A, %dma_start3A, %dma_start3A_42] : memref<32x79x128xi32, #tpu.memory_space<hbm>> -> memref<1x79x128xi32, #tpu.memory_space<hbm>>
      %dma_start3A_44 = tpu.memref_squeeze %dma_start3A_43 : memref<1x79x128xi32, #tpu.memory_space<hbm>> -> memref<79x128xi32, #tpu.memory_space<hbm>>
      %dma_start3A_45 = arith.constant 0 : i32
      %dma_start3A_46 = arith.constant 0 : i32
      %dma_start3A_47 = tpu.memref_slice %arg3[%add3A, %dma_start3A_45, %dma_start3A_46] : memref<32x79x128xi32, #tpu.memory_space<hbm>> -> memref<1x79x128xi32, #tpu.memory_space<hbm>>
      %dma_start3A_48 = tpu.memref_squeeze %dma_start3A_47 : memref<1x79x128xi32, #tpu.memory_space<hbm>> -> memref<79x128xi32, #tpu.memory_space<hbm>>
      tpu.enqueue_dma source(%dma_start3A_48 : memref<79x128xi32, #tpu.memory_space<hbm>>) target(%arg6 : memref<79x128xi32, #tpu.memory_space<vmem>>) target_semaphore(%run_scoped3A : memref<!tpu.dma_semaphore, #tpu.memory_space<semaphore_mem>>)
      %dma_wait3A = arith.constant 0 : i32
      %dma_wait3A_49 = arith.constant 0 : i32
      %dma_wait3A_50 = tpu.memref_slice %arg3[%add3A, %dma_wait3A, %dma_wait3A_49] : memref<32x79x128xi32, #tpu.memory_space<hbm>> -> memref<1x79x128xi32, #tpu.memory_space<hbm>>
      %dma_wait3A_51 = tpu.memref_squeeze %dma_wait3A_50 : memref<1x79x128xi32, #tpu.memory_space<hbm>> -> memref<79x128xi32, #tpu.memory_space<hbm>>
      %dma_wait3A_52 = arith.constant 0 : i32
      %dma_wait3A_53 = arith.constant 0 : i32
      %dma_wait3A_54 = tpu.memref_slice %arg3[%add3A, %dma_wait3A_52, %dma_wait3A_53] : memref<32x79x128xi32, #tpu.memory_space<hbm>> -> memref<1x79x128xi32, #tpu.memory_space<hbm>>
      %dma_wait3A_55 = tpu.memref_squeeze %dma_wait3A_54 : memref<1x79x128xi32, #tpu.memory_space<hbm>> -> memref<79x128xi32, #tpu.memory_space<hbm>>
      tpu.wait_dma2 semaphore(%run_scoped3A : memref<!tpu.dma_semaphore, #tpu.memory_space<semaphore_mem>>) src(%dma_wait3A_55 : memref<79x128xi32, #tpu.memory_space<hbm>>) dst(%arg6 : memref<79x128xi32, #tpu.memory_space<vmem>>)
      tpu.yield
    }) : () -> ()
    "tpu.region"() ({
      %run_scoped3A = tpu.sem_alloc : memref<!tpu.dma_semaphore, #tpu.memory_space<semaphore_mem>>
      %dma_start3A = arith.constant 0 : i32
      %dma_start3A_42 = arith.constant 0 : i32
      %dma_start3A_43 = tpu.memref_slice %arg4[%add3A, %dma_start3A, %dma_start3A_42] : memref<32x79x128xi32, #tpu.memory_space<hbm>> -> memref<1x79x128xi32, #tpu.memory_space<hbm>>
      %dma_start3A_44 = tpu.memref_squeeze %dma_start3A_43 : memref<1x79x128xi32, #tpu.memory_space<hbm>> -> memref<79x128xi32, #tpu.memory_space<hbm>>
      %dma_start3A_45 = arith.constant 0 : i32
      %dma_start3A_46 = arith.constant 0 : i32
      %dma_start3A_47 = tpu.memref_slice %arg4[%add3A, %dma_start3A_45, %dma_start3A_46] : memref<32x79x128xi32, #tpu.memory_space<hbm>> -> memref<1x79x128xi32, #tpu.memory_space<hbm>>
      %dma_start3A_48 = tpu.memref_squeeze %dma_start3A_47 : memref<1x79x128xi32, #tpu.memory_space<hbm>> -> memref<79x128xi32, #tpu.memory_space<hbm>>
      tpu.enqueue_dma source(%dma_start3A_48 : memref<79x128xi32, #tpu.memory_space<hbm>>) target(%arg7 : memref<79x128xi32, #tpu.memory_space<vmem>>) target_semaphore(%run_scoped3A : memref<!tpu.dma_semaphore, #tpu.memory_space<semaphore_mem>>)
      %dma_wait3A = arith.constant 0 : i32
      %dma_wait3A_49 = arith.constant 0 : i32
      %dma_wait3A_50 = tpu.memref_slice %arg4[%add3A, %dma_wait3A, %dma_wait3A_49] : memref<32x79x128xi32, #tpu.memory_space<hbm>> -> memref<1x79x128xi32, #tpu.memory_space<hbm>>
      %dma_wait3A_51 = tpu.memref_squeeze %dma_wait3A_50 : memref<1x79x128xi32, #tpu.memory_space<hbm>> -> memref<79x128xi32, #tpu.memory_space<hbm>>
      %dma_wait3A_52 = arith.constant 0 : i32
      %dma_wait3A_53 = arith.constant 0 : i32
      %dma_wait3A_54 = tpu.memref_slice %arg4[%add3A, %dma_wait3A_52, %dma_wait3A_53] : memref<32x79x128xi32, #tpu.memory_space<hbm>> -> memref<1x79x128xi32, #tpu.memory_space<hbm>>
      %dma_wait3A_55 = tpu.memref_squeeze %dma_wait3A_54 : memref<1x79x128xi32, #tpu.memory_space<hbm>> -> memref<79x128xi32, #tpu.memory_space<hbm>>
      tpu.wait_dma2 semaphore(%run_scoped3A : memref<!tpu.dma_semaphore, #tpu.memory_space<semaphore_mem>>) src(%dma_wait3A_55 : memref<79x128xi32, #tpu.memory_space<hbm>>) dst(%arg7 : memref<79x128xi32, #tpu.memory_space<vmem>>)
      tpu.yield
    }) : () -> ()
    %barrier3A = arith.constant 0 : index
    tpu.barrier barrier_id(%barrier3A)
    %scan3A_27 = arith.constant 0 : i32
    %scan3A_28 = arith.constant 0 : i32
    %scan3A_29 = arith.constant 79 : i32
    %scan3A_30 = arith.addi %scan3A_28, %scan3A_29 : i32
    %scan3A_31 = arith.constant 1 : i32
    scf.for %scan3A_42 = %scan3A_28 to %scan3A_30 step %scan3A_31  : i32 {
      %dma_start3A = arith.constant 0 : i32
      %dma_start3A_43 = tpu.memref_slice %arg6[%scan3A_42, %dma_start3A] : memref<79x128xi32, #tpu.memory_space<vmem>> -> memref<1x128xi32, #tpu.memory_space<vmem>>
      %dma_start3A_44 = tpu.memref_squeeze %dma_start3A_43 : memref<1x128xi32, #tpu.memory_space<vmem>> -> memref<128xi32, #tpu.memory_space<vmem>>
      %dma_start3A_45 = arith.constant 0 : i32
      %dma_start3A_46 = arith.constant 0 : i32
      %dma_start3A_47 = tpu.memref_slice %arg2[%dma_start3A_45, %dma_start3A_46] : memref<10000x64xf32, #tpu.memory_space<hbm>> -> memref<10000x64xf32, #tpu.memory_space<hbm>>
      tpu.enqueue_indirect_dma source(%dma_start3A_47 : memref<10000x64xf32, #tpu.memory_space<hbm>>) target(%arg8 : memref<128x64xf32, #tpu.memory_space<vmem>>) offsets(%dma_start3A_44 : memref<128xi32, #tpu.memory_space<vmem>>) semaphore(%arg10 : memref<!tpu.dma_semaphore, #tpu.memory_space<semaphore_mem>>)
      %dma_wait3A = arith.constant 0 : i32
      %dma_wait3A_48 = tpu.memref_slice %arg6[%scan3A_42, %dma_wait3A] : memref<79x128xi32, #tpu.memory_space<vmem>> -> memref<1x128xi32, #tpu.memory_space<vmem>>
      %dma_wait3A_49 = tpu.memref_squeeze %dma_wait3A_48 : memref<1x128xi32, #tpu.memory_space<vmem>> -> memref<128xi32, #tpu.memory_space<vmem>>
      %dma_wait3A_50 = arith.constant 0 : i32
      %dma_wait3A_51 = arith.constant 0 : i32
      %dma_wait3A_52 = tpu.memref_slice %arg2[%dma_wait3A_50, %dma_wait3A_51] : memref<10000x64xf32, #tpu.memory_space<hbm>> -> memref<10000x64xf32, #tpu.memory_space<hbm>>
      tpu.wait_indirect_dma semaphore(%arg10 : memref<!tpu.dma_semaphore, #tpu.memory_space<semaphore_mem>>) src(%dma_wait3A_52 : memref<10000x64xf32, #tpu.memory_space<hbm>>) dst(%arg8 : memref<128x64xf32, #tpu.memory_space<vmem>>)
      "tpu.region"() ({
        %run_scoped3A = tpu.sem_alloc : memref<!tpu.dma_semaphore, #tpu.memory_space<semaphore_mem>>
        %dma_start3A_53 = arith.constant 0 : i32
        %dma_start3A_54 = tpu.memref_slice %arg7[%scan3A_42, %dma_start3A_53] : memref<79x128xi32, #tpu.memory_space<vmem>> -> memref<1x128xi32, #tpu.memory_space<vmem>>
        %dma_start3A_55 = tpu.memref_squeeze %dma_start3A_54 : memref<1x128xi32, #tpu.memory_space<vmem>> -> memref<128xi32, #tpu.memory_space<vmem>>
        %dma_start3A_56 = arith.constant 0 : i32
        %dma_start3A_57 = arith.constant 0 : i32
        %dma_start3A_58 = tpu.memref_slice %arg9[%dma_start3A_56, %dma_start3A_57] : memref<10240x64xf32, #tpu.memory_space<vmem_shared>> -> memref<10240x64xf32, #tpu.memory_space<vmem_shared>>
        tpu.enqueue_indirect_dma source(%arg8 : memref<128x64xf32, #tpu.memory_space<vmem>>) target(%dma_start3A_58 : memref<10240x64xf32, #tpu.memory_space<vmem_shared>>) offsets(%dma_start3A_55 : memref<128xi32, #tpu.memory_space<vmem>>) semaphore(%run_scoped3A : memref<!tpu.dma_semaphore, #tpu.memory_space<semaphore_mem>>) {add = true}
        %dma_wait3A_59 = arith.constant 0 : i32
        %dma_wait3A_60 = tpu.memref_slice %arg7[%scan3A_42, %dma_wait3A_59] : memref<79x128xi32, #tpu.memory_space<vmem>> -> memref<1x128xi32, #tpu.memory_space<vmem>>
        %dma_wait3A_61 = tpu.memref_squeeze %dma_wait3A_60 : memref<1x128xi32, #tpu.memory_space<vmem>> -> memref<128xi32, #tpu.memory_space<vmem>>
        %dma_wait3A_62 = arith.constant 0 : i32
        %dma_wait3A_63 = arith.constant 0 : i32
        %dma_wait3A_64 = tpu.memref_slice %arg9[%dma_wait3A_62, %dma_wait3A_63] : memref<10240x64xf32, #tpu.memory_space<vmem_shared>> -> memref<10240x64xf32, #tpu.memory_space<vmem_shared>>
        tpu.wait_indirect_dma semaphore(%run_scoped3A : memref<!tpu.dma_semaphore, #tpu.memory_space<semaphore_mem>>) src(%arg8 : memref<128x64xf32, #tpu.memory_space<vmem>>) dst(%dma_wait3A_64 : memref<10240x64xf32, #tpu.memory_space<vmem_shared>>)
        tpu.yield
      }) : () -> ()
    }
    %scan3A_32 = arith.constant 79 : i32
    %barrier3A_33 = arith.constant 0 : index
    tpu.barrier barrier_id(%barrier3A_33)
    %mul3A_34 = arith.constant 624 : i32
    %mul3A_35 = arith.muli %arg1, %mul3A_34 : i32
    %multiple_of3A = tpu.assume_multiple %mul3A_35, 8 : i32
    %lt3A = arith.constant 15 : i32
    %lt3A_36 = arith.cmpi slt, %arg1, %lt3A : i32
    %convert_element_type3A = arith.extui %lt3A_36 : i1 to i32
    %cond3A = arith.constant 0 : i32
    %cond3A_37 = arith.cmpi ne, %convert_element_type3A, %cond3A : i32
    scf.if %cond3A_37 {
      "tpu.region"() ({
        %run_scoped3A = tpu.sem_alloc : memref<!tpu.dma_semaphore, #tpu.memory_space<semaphore_mem>>
        %dma_start3A = arith.constant 0 : i32
        %dma_start3A_42 = tpu.memref_slice %arg5[%arg0, %multiple_of3A, %dma_start3A] : memref<2x10000x64xf32, #tpu.memory_space<hbm>> -> memref<1x624x64xf32, #tpu.memory_space<hbm>>
        %dma_start3A_43 = tpu.memref_squeeze %dma_start3A_42 : memref<1x624x64xf32, #tpu.memory_space<hbm>> -> memref<624x64xf32, #tpu.memory_space<hbm>>
        %dma_start3A_44 = arith.constant 0 : i32
        %dma_start3A_45 = tpu.memref_slice %arg9[%multiple_of3A, %dma_start3A_44] : memref<10240x64xf32, #tpu.memory_space<vmem_shared>> -> memref<624x64xf32, #tpu.memory_space<vmem_shared>>
        tpu.enqueue_dma source(%dma_start3A_45 : memref<624x64xf32, #tpu.memory_space<vmem_shared>>) target(%dma_start3A_43 : memref<624x64xf32, #tpu.memory_space<hbm>>) target_semaphore(%run_scoped3A : memref<!tpu.dma_semaphore, #tpu.memory_space<semaphore_mem>>)
        %dma_wait3A = arith.constant 0 : i32
        %dma_wait3A_46 = tpu.memref_slice %arg5[%arg0, %multiple_of3A, %dma_wait3A] : memref<2x10000x64xf32, #tpu.memory_space<hbm>> -> memref<1x624x64xf32, #tpu.memory_space<hbm>>
        %dma_wait3A_47 = tpu.memref_squeeze %dma_wait3A_46 : memref<1x624x64xf32, #tpu.memory_space<hbm>> -> memref<624x64xf32, #tpu.memory_space<hbm>>
        %dma_wait3A_48 = arith.constant 0 : i32
        %dma_wait3A_49 = tpu.memref_slice %arg9[%multiple_of3A, %dma_wait3A_48] : memref<10240x64xf32, #tpu.memory_space<vmem_shared>> -> memref<624x64xf32, #tpu.memory_space<vmem_shared>>
        tpu.wait_dma2 semaphore(%run_scoped3A : memref<!tpu.dma_semaphore, #tpu.memory_space<semaphore_mem>>) src(%dma_wait3A_49 : memref<624x64xf32, #tpu.memory_space<vmem_shared>>) dst(%dma_wait3A_47 : memref<624x64xf32, #tpu.memory_space<hbm>>)
        tpu.yield
      }) : () -> ()
    } else {
    }
    %eq3A = arith.constant 15 : i32
    %eq3A_38 = arith.cmpi eq, %arg1, %eq3A : i32
    %convert_element_type3A_39 = arith.extui %eq3A_38 : i1 to i32
    %cond3A_40 = arith.constant 0 : i32
    %cond3A_41 = arith.cmpi ne, %convert_element_type3A_39, %cond3A_40 : i32
    scf.if %cond3A_41 {
      "tpu.region"() ({
        %run_scoped3A = tpu.sem_alloc : memref<!tpu.dma_semaphore, #tpu.memory_space<semaphore_mem>>
        %dma_start3A = arith.constant 9360 : i32
        %dma_start3A_42 = arith.constant 0 : i32
        %dma_start3A_43 = tpu.memref_slice %arg5[%arg0, %dma_start3A, %dma_start3A_42] : memref<2x10000x64xf32, #tpu.memory_space<hbm>> -> memref<1x640x64xf32, #tpu.memory_space<hbm>>
        %dma_start3A_44 = tpu.memref_squeeze %dma_start3A_43 : memref<1x640x64xf32, #tpu.memory_space<hbm>> -> memref<640x64xf32, #tpu.memory_space<hbm>>
        %dma_start3A_45 = arith.constant 9360 : i32
        %dma_start3A_46 = arith.constant 0 : i32
        %dma_start3A_47 = tpu.memref_slice %arg9[%dma_start3A_45, %dma_start3A_46] : memref<10240x64xf32, #tpu.memory_space<vmem_shared>> -> memref<640x64xf32, #tpu.memory_space<vmem_shared>>
        tpu.enqueue_dma source(%dma_start3A_47 : memref<640x64xf32, #tpu.memory_space<vmem_shared>>) target(%dma_start3A_44 : memref<640x64xf32, #tpu.memory_space<hbm>>) target_semaphore(%run_scoped3A : memref<!tpu.dma_semaphore, #tpu.memory_space<semaphore_mem>>)
        %dma_wait3A = arith.constant 9360 : i32
        %dma_wait3A_48 = arith.constant 0 : i32
        %dma_wait3A_49 = tpu.memref_slice %arg5[%arg0, %dma_wait3A, %dma_wait3A_48] : memref<2x10000x64xf32, #tpu.memory_space<hbm>> -> memref<1x640x64xf32, #tpu.memory_space<hbm>>
        %dma_wait3A_50 = tpu.memref_squeeze %dma_wait3A_49 : memref<1x640x64xf32, #tpu.memory_space<hbm>> -> memref<640x64xf32, #tpu.memory_space<hbm>>
        %dma_wait3A_51 = arith.constant 9360 : i32
        %dma_wait3A_52 = arith.constant 0 : i32
        %dma_wait3A_53 = tpu.memref_slice %arg9[%dma_wait3A_51, %dma_wait3A_52] : memref<10240x64xf32, #tpu.memory_space<vmem_shared>> -> memref<640x64xf32, #tpu.memory_space<vmem_shared>>
        tpu.wait_dma2 semaphore(%run_scoped3A : memref<!tpu.dma_semaphore, #tpu.memory_space<semaphore_mem>>) src(%dma_wait3A_53 : memref<640x64xf32, #tpu.memory_space<vmem_shared>>) dst(%dma_wait3A_50 : memref<640x64xf32, #tpu.memory_space<hbm>>)
        tpu.yield
      }) : () -> ()
    } else {
    }
    return
  }
}

module attributes {stable_mosaic.version = 14 : i64} {
  func.func @body(%arg0: i32, %arg1: memref<1000x128xf32, #tpu.memory_space<vmem>>, %arg2: memref<128x64xf32, #tpu.memory_space<vmem>>, %arg3: memref<128x64xf32, #tpu.memory_space<vmem>>, %arg4: memref<1000x64xf32, #tpu.memory_space<vmem>>, %arg5: memref<1000x64xf32, #tpu.memory_space<vmem>>) attributes {dimension_semantics = [#tpu.dimension_semantics<arbitrary>], iteration_bounds = array<i64: 10>, scalar_prefetch = 0 : i64, scratch_operands = 0 : i64, tpu.core_type = #tpu.core_type<tc>, window_params = [{transform_indices = @transform_0, window_bounds = array<i64: 1000, 128>}, {pipeline_mode = #tpu.pipeline_mode<synchronous>, transform_indices = @transform_1, window_bounds = array<i64: 128, 64>}, {pipeline_mode = #tpu.pipeline_mode<synchronous>, transform_indices = @transform_2, window_bounds = array<i64: 128, 64>}, {transform_indices = @transform_3, window_bounds = array<i64: 1000, 64>}, {transform_indices = @transform_4, window_bounds = array<i64: 1000, 64>}]} {
    %get3A = arith.constant 0 : index
    %get3A_0 = arith.constant 0 : index
    %get3A_1 = vector.load %arg1[%get3A, %get3A_0] : memref<1000x128xf32, #tpu.memory_space<vmem>>, vector<1000x128xf32>
    %get3A_2 = arith.constant 0 : index
    %get3A_3 = arith.constant 0 : index
    %get3A_4 = vector.load %arg2[%get3A_2, %get3A_3] : memref<128x64xf32, #tpu.memory_space<vmem>>, vector<128x64xf32>
    %dot_general3A = arith.constant dense<0.000000e+00> : vector<1000x64xf32>
    %dot_general3A_5 = tpu.matmul %get3A_1, %get3A_4, %dot_general3A {dimension_numbers = #tpu.dot_dimension_numbers<[1], [0], [0], [1], [0, 0, 1, 1], [], []>, transpose_lhs_hint = false} : vector<1000x128xf32>, vector<128x64xf32>, vector<1000x64xf32> -> vector<1000x64xf32>
    %swap3A = arith.constant 0 : index
    %swap3A_6 = arith.constant 0 : index
    %swap3A_7 = vector.load %arg4[%swap3A, %swap3A_6] : memref<1000x64xf32, #tpu.memory_space<vmem>>, vector<1000x64xf32>
    tpu.vector_store %arg4[%swap3A, %swap3A_6], %dot_general3A_5 {strides = array<i32>} : memref<1000x64xf32, #tpu.memory_space<vmem>>, vector<1000x64xf32>,
    %get3A_8 = arith.constant 0 : index
    %get3A_9 = arith.constant 0 : index
    %get3A_10 = vector.load %arg3[%get3A_8, %get3A_9] : memref<128x64xf32, #tpu.memory_space<vmem>>, vector<128x64xf32>
    %dot_general3A_11 = arith.constant dense<0.000000e+00> : vector<1000x64xf32>
    %dot_general3A_12 = tpu.matmul %get3A_1, %get3A_10, %dot_general3A_11 {dimension_numbers = #tpu.dot_dimension_numbers<[1], [0], [0], [1], [0, 0, 1, 1], [], []>, transpose_lhs_hint = false} : vector<1000x128xf32>, vector<128x64xf32>, vector<1000x64xf32> -> vector<1000x64xf32>
    %swap3A_13 = arith.constant 0 : index
    %swap3A_14 = arith.constant 0 : index
    %swap3A_15 = vector.load %arg5[%swap3A_13, %swap3A_14] : memref<1000x64xf32, #tpu.memory_space<vmem>>, vector<1000x64xf32>
    tpu.vector_store %arg5[%swap3A_13, %swap3A_14], %dot_general3A_12 {strides = array<i32>} : memref<1000x64xf32, #tpu.memory_space<vmem>>, vector<1000x64xf32>,
    return
  }
  func.func @transform_0(%arg0: i32) -> (i32, i32) {
    %c0_i32 = arith.constant 0 : i32
    %c0_i32_0 = arith.constant 0 : i32
    return %arg0, %c0_i32 : i32, i32
  }
  func.func @transform_1(%arg0: i32) -> (i32, i32) {
    %c0_i32 = arith.constant 0 : i32
    %c0_i32_0 = arith.constant 0 : i32
    %c0_i32_1 = arith.constant 0 : i32
    return %c0_i32, %c0_i32_0 : i32, i32
  }
  func.func @transform_2(%arg0: i32) -> (i32, i32) {
    %c0_i32 = arith.constant 0 : i32
    %c0_i32_0 = arith.constant 0 : i32
    %c0_i32_1 = arith.constant 0 : i32
    return %c0_i32, %c0_i32_0 : i32, i32
  }
  func.func @transform_3(%arg0: i32) -> (i32, i32) {
    %c0_i32 = arith.constant 0 : i32
    %c0_i32_0 = arith.constant 0 : i32
    return %arg0, %c0_i32 : i32, i32
  }
  func.func @transform_4(%arg0: i32) -> (i32, i32) {
    %c0_i32 = arith.constant 0 : i32
    %c0_i32_0 = arith.constant 0 : i32
    return %arg0, %c0_i32 : i32, i32
  }
}

module attributes {stable_mosaic.version = 14 : i64} {
  func.func @body(%arg0: i32, %arg1: memref<2x1000x64xf32, #tpu.memory_space<vmem>>, %arg2: memref<1000x64xf32, #tpu.memory_space<vmem>>, %arg3: memref<1x64xf32, #tpu.memory_space<vmem>>, %arg4: memref<1x1x1000xi32, #tpu.memory_space<vmem>>, %arg5: memref<1000x64xf32, #tpu.memory_space<vmem>>, %arg6: memref<64x64xf32, #tpu.memory_space<vmem>>, %arg7: memref<64x1xf32, #tpu.memory_space<vmem>>) attributes {dimension_semantics = [#tpu.dimension_semantics<arbitrary>], iteration_bounds = array<i64: 10>, scalar_prefetch = 0 : i64, scratch_operands = 0 : i64, tpu.core_type = #tpu.core_type<tc>, window_params = [{transform_indices = @transform_0, window_bounds = array<i64: 2, 1000, 64>}, {transform_indices = @transform_1, window_bounds = array<i64: 1000, 64>}, {pipeline_mode = #tpu.pipeline_mode<synchronous>, transform_indices = @transform_2, window_bounds = array<i64: 1, 64>}, {transform_indices = @transform_3, window_bounds = array<i64: 1, 1, 1000>}, {transform_indices = @transform_4, window_bounds = array<i64: 1000, 64>}, {pipeline_mode = #tpu.pipeline_mode<synchronous>, transform_indices = @transform_5, window_bounds = array<i64: 64, 64>}, {pipeline_mode = #tpu.pipeline_mode<synchronous>, transform_indices = @transform_6, window_bounds = array<i64: 64, 1>}]} {
    %get3A = arith.constant 0 : index
    %get3A_0 = arith.constant 0 : index
    %get3A_1 = arith.constant 0 : index
    %get3A_2 = vector.load %arg1[%get3A, %get3A_0, %get3A_1] : memref<2x1000x64xf32, #tpu.memory_space<vmem>>, vector<1x1000x64xf32>
    %get3A_3 = vector.shape_cast %get3A_2 : vector<1x1000x64xf32> to vector<1000x64xf32>
    %get3A_4 = arith.constant 1 : index
    %get3A_5 = arith.constant 0 : index
    %get3A_6 = arith.constant 0 : index
    %get3A_7 = vector.load %arg1[%get3A_4, %get3A_5, %get3A_6] : memref<2x1000x64xf32, #tpu.memory_space<vmem>>, vector<1x1000x64xf32>
    %get3A_8 = vector.shape_cast %get3A_7 : vector<1x1000x64xf32> to vector<1000x64xf32>
    %add3A = arith.addf %get3A_3, %get3A_8 : vector<1000x64xf32>
    %get3A_9 = arith.constant 0 : index
    %get3A_10 = arith.constant 0 : index
    %get3A_11 = vector.load %arg3[%get3A_9, %get3A_10] : memref<1x64xf32, #tpu.memory_space<vmem>>, vector<1x64xf32>
    %add3A_12 = vector.broadcast %get3A_11 : vector<1x64xf32> to vector<1000x64xf32>
    %add3A_13 = arith.addf %add3A, %add3A_12 : vector<1000x64xf32>
    %get3A_14 = arith.constant 0 : index
    %get3A_15 = arith.constant 0 : index
    %get3A_16 = vector.load %arg2[%get3A_14, %get3A_15] : memref<1000x64xf32, #tpu.memory_space<vmem>>, vector<1000x64xf32>
    %add3A_17 = arith.addf %add3A_13, %get3A_16 : vector<1000x64xf32>
    %max3A = arith.constant 0.000000e+00 : f32
    %max3A_18 = vector.broadcast %max3A : f32 to vector<1000x64xf32>
    %max3A_19 = arith.maximumf %add3A_17, %max3A_18 : vector<1000x64xf32>
    %swap3A = arith.constant 0 : index
    %swap3A_20 = arith.constant 0 : index
    %swap3A_21 = vector.load %arg5[%swap3A, %swap3A_20] : memref<1000x64xf32, #tpu.memory_space<vmem>>, vector<1000x64xf32>
    tpu.vector_store %arg5[%swap3A, %swap3A_20], %max3A_19 {strides = array<i32>} : memref<1000x64xf32, #tpu.memory_space<vmem>>, vector<1000x64xf32>,
    %get3A_22 = arith.constant 0 : index
    %get3A_23 = arith.constant 0 : index
    %get3A_24 = arith.constant 0 : index
    %get3A_25 = vector.load %arg4[%get3A_22, %get3A_23, %get3A_24] : memref<1x1x1000xi32, #tpu.memory_space<vmem>>, vector<1x1x1000xi32>
    %get3A_26 = vector.shape_cast %get3A_25 : vector<1x1x1000xi32> to vector<1x1000xi32>
    %iota3A = tpu.iota {dimensions = array<i32: 0>} : vector<64x1000xi32>
    %eq3A = vector.broadcast %get3A_26 : vector<1x1000xi32> to vector<64x1000xi32>
    %eq3A_27 = arith.cmpi eq, %iota3A, %eq3A : vector<64x1000xi32>
    %convert_element_type3A = arith.extui %eq3A_27 : vector<64x1000xi1> to vector<64x1000xi32>
    %convert_element_type3A_28 = arith.sitofp %convert_element_type3A : vector<64x1000xi32> to vector<64x1000xf32>
    %dot_general3A = arith.constant dense<0.000000e+00> : vector<64x64xf32>
    %dot_general3A_29 = tpu.matmul %convert_element_type3A_28, %max3A_19, %dot_general3A {dimension_numbers = #tpu.dot_dimension_numbers<[1], [0], [0], [1], [0, 0, 1, 1], [], []>, transpose_lhs_hint = false} : vector<64x1000xf32>, vector<1000x64xf32>, vector<64x64xf32> -> vector<64x64xf32>
    %eq3A_30 = arith.constant 0 : i32
    %eq3A_31 = arith.cmpi eq, %arg0, %eq3A_30 : i32
    %convert_element_type3A_32 = arith.extui %eq3A_31 : i1 to i32
    %cond3A = arith.constant 0 : i32
    %cond3A_33 = arith.cmpi ne, %convert_element_type3A_32, %cond3A : i32
    scf.if %cond3A_33 {
      %swap3A_49 = arith.constant 0 : index
      %swap3A_50 = arith.constant 0 : index
      %swap3A_51 = vector.load %arg6[%swap3A_49, %swap3A_50] : memref<64x64xf32, #tpu.memory_space<vmem>>, vector<64x64xf32>
      tpu.vector_store %arg6[%swap3A_49, %swap3A_50], %dot_general3A_29 {strides = array<i32>} : memref<64x64xf32, #tpu.memory_space<vmem>>, vector<64x64xf32>,
    } else {
    }
    %gt3A = arith.constant 0 : i32
    %gt3A_34 = arith.cmpi sgt, %arg0, %gt3A : i32
    %convert_element_type3A_35 = arith.extui %gt3A_34 : i1 to i32
    %cond3A_36 = arith.constant 0 : i32
    %cond3A_37 = arith.cmpi ne, %convert_element_type3A_35, %cond3A_36 : i32
    scf.if %cond3A_37 {
      %get3A_49 = arith.constant 0 : index
      %get3A_50 = arith.constant 0 : index
      %get3A_51 = vector.load %arg6[%get3A_49, %get3A_50] : memref<64x64xf32, #tpu.memory_space<vmem>>, vector<64x64xf32>
      %add3A_52 = arith.addf %get3A_51, %dot_general3A_29 : vector<64x64xf32>
      %swap3A_53 = arith.constant 0 : index
      %swap3A_54 = arith.constant 0 : index
      %swap3A_55 = vector.load %arg6[%swap3A_53, %swap3A_54] : memref<64x64xf32, #tpu.memory_space<vmem>>, vector<64x64xf32>
      tpu.vector_store %arg6[%swap3A_53, %swap3A_54], %add3A_52 {strides = array<i32>} : memref<64x64xf32, #tpu.memory_space<vmem>>, vector<64x64xf32>,
    } else {
    }
    %reduce_sum3A = arith.constant dense<0.000000e+00> : vector<64xf32>
    %reduce_sum3A_38 = vector.multi_reduction <add>, %convert_element_type3A_28, %reduce_sum3A [1] : vector<64x1000xf32> to vector<64xf32>
    %broadcast_in_dim3A = vector.shape_cast %reduce_sum3A_38 : vector<64xf32> to vector<64x1xf32>
    %eq3A_39 = arith.constant 0 : i32
    %eq3A_40 = arith.cmpi eq, %arg0, %eq3A_39 : i32
    %convert_element_type3A_41 = arith.extui %eq3A_40 : i1 to i32
    %cond3A_42 = arith.constant 0 : i32
    %cond3A_43 = arith.cmpi ne, %convert_element_type3A_41, %cond3A_42 : i32
    scf.if %cond3A_43 {
      %swap3A_49 = arith.constant 0 : index
      %swap3A_50 = arith.constant 0 : index
      %swap3A_51 = vector.load %arg7[%swap3A_49, %swap3A_50] : memref<64x1xf32, #tpu.memory_space<vmem>>, vector<64x1xf32>
      tpu.vector_store %arg7[%swap3A_49, %swap3A_50], %broadcast_in_dim3A {strides = array<i32>} : memref<64x1xf32, #tpu.memory_space<vmem>>, vector<64x1xf32>,
    } else {
    }
    %gt3A_44 = arith.constant 0 : i32
    %gt3A_45 = arith.cmpi sgt, %arg0, %gt3A_44 : i32
    %convert_element_type3A_46 = arith.extui %gt3A_45 : i1 to i32
    %cond3A_47 = arith.constant 0 : i32
    %cond3A_48 = arith.cmpi ne, %convert_element_type3A_46, %cond3A_47 : i32
    scf.if %cond3A_48 {
      %get3A_49 = arith.constant 0 : index
      %get3A_50 = arith.constant 0 : index
      %get3A_51 = vector.load %arg7[%get3A_49, %get3A_50] : memref<64x1xf32, #tpu.memory_space<vmem>>, vector<64x1xf32>
      %add3A_52 = arith.addf %get3A_51, %broadcast_in_dim3A : vector<64x1xf32>
      %swap3A_53 = arith.constant 0 : index
      %swap3A_54 = arith.constant 0 : index
      %swap3A_55 = vector.load %arg7[%swap3A_53, %swap3A_54] : memref<64x1xf32, #tpu.memory_space<vmem>>, vector<64x1xf32>
      tpu.vector_store %arg7[%swap3A_53, %swap3A_54], %add3A_52 {strides = array<i32>} : memref<64x1xf32, #tpu.memory_space<vmem>>, vector<64x1xf32>,
    } else {
    }
    return
  }
  func.func @transform_0(%arg0: i32) -> (i32, i32, i32) {
    %c0_i32 = arith.constant 0 : i32
    %c0_i32_0 = arith.constant 0 : i32
    %c0_i32_1 = arith.constant 0 : i32
    return %c0_i32, %arg0, %c0_i32_0 : i32, i32, i32
  }
  func.func @transform_1(%arg0: i32) -> (i32, i32) {
    %c0_i32 = arith.constant 0 : i32
    %c0_i32_0 = arith.constant 0 : i32
    return %arg0, %c0_i32 : i32, i32
  }
  func.func @transform_2(%arg0: i32) -> (i32, i32) {
    %c0_i32 = arith.constant 0 : i32
    %c0_i32_0 = arith.constant 0 : i32
    %c0_i32_1 = arith.constant 0 : i32
    return %c0_i32, %c0_i32_0 : i32, i32
  }
  func.func @transform_3(%arg0: i32) -> (i32, i32, i32) {
    %c0_i32 = arith.constant 0 : i32
    %c0_i32_0 = arith.constant 0 : i32
    %c0_i32_1 = arith.constant 0 : i32
    return %arg0, %c0_i32, %c0_i32_0 : i32, i32, i32
  }
  func.func @transform_4(%arg0: i32) -> (i32, i32) {
    %c0_i32 = arith.constant 0 : i32
    %c0_i32_0 = arith.constant 0 : i32
    return %arg0, %c0_i32 : i32, i32
  }
  func.func @transform_5(%arg0: i32) -> (i32, i32) {
    %c0_i32 = arith.constant 0 : i32
    %c0_i32_0 = arith.constant 0 : i32
    %c0_i32_1 = arith.constant 0 : i32
    return %c0_i32, %c0_i32_0 : i32, i32
  }
  func.func @transform_6(%arg0: i32) -> (i32, i32) {
    %c0_i32 = arith.constant 0 : i32
    %c0_i32_0 = arith.constant 0 : i32
    %c0_i32_1 = arith.constant 0 : i32
    return %c0_i32, %c0_i32_0 : i32, i32
  }
}

module attributes {stable_mosaic.version = 14 : i64} {
  func.func @body(%arg0: i32, %arg1: memref<2x1000x64xf32, #tpu.memory_space<vmem>>, %arg2: memref<1000x64xf32, #tpu.memory_space<vmem>>, %arg3: memref<64x64xf32, #tpu.memory_space<vmem>>, %arg4: memref<64x64xf32, #tpu.memory_space<vmem>>, %arg5: memref<1x64xf32, #tpu.memory_space<vmem>>, %arg6: memref<1x1x1000xi32, #tpu.memory_space<vmem>>, %arg7: memref<1000x64xf32, #tpu.memory_space<vmem>>, %arg8: memref<64x64xf32, #tpu.memory_space<vmem>>) attributes {dimension_semantics = [#tpu.dimension_semantics<arbitrary>], iteration_bounds = array<i64: 10>, scalar_prefetch = 0 : i64, scratch_operands = 0 : i64, tpu.core_type = #tpu.core_type<tc>, window_params = [{transform_indices = @transform_0, window_bounds = array<i64: 2, 1000, 64>}, {transform_indices = @transform_1, window_bounds = array<i64: 1000, 64>}, {pipeline_mode = #tpu.pipeline_mode<synchronous>, transform_indices = @transform_2, window_bounds = array<i64: 64, 64>}, {pipeline_mode = #tpu.pipeline_mode<synchronous>, transform_indices = @transform_3, window_bounds = array<i64: 64, 64>}, {pipeline_mode = #tpu.pipeline_mode<synchronous>, transform_indices = @transform_4, window_bounds = array<i64: 1, 64>}, {transform_indices = @transform_5, window_bounds = array<i64: 1, 1, 1000>}, {transform_indices = @transform_6, window_bounds = array<i64: 1000, 64>}, {pipeline_mode = #tpu.pipeline_mode<synchronous>, transform_indices = @transform_7, window_bounds = array<i64: 64, 64>}]} {
    %get3A = arith.constant 0 : index
    %get3A_0 = arith.constant 0 : index
    %get3A_1 = arith.constant 0 : index
    %get3A_2 = vector.load %arg1[%get3A, %get3A_0, %get3A_1] : memref<2x1000x64xf32, #tpu.memory_space<vmem>>, vector<1x1000x64xf32>
    %get3A_3 = vector.shape_cast %get3A_2 : vector<1x1000x64xf32> to vector<1000x64xf32>
    %get3A_4 = arith.constant 1 : index
    %get3A_5 = arith.constant 0 : index
    %get3A_6 = arith.constant 0 : index
    %get3A_7 = vector.load %arg1[%get3A_4, %get3A_5, %get3A_6] : memref<2x1000x64xf32, #tpu.memory_space<vmem>>, vector<1x1000x64xf32>
    %get3A_8 = vector.shape_cast %get3A_7 : vector<1x1000x64xf32> to vector<1000x64xf32>
    %add3A = arith.addf %get3A_3, %get3A_8 : vector<1000x64xf32>
    %get3A_9 = arith.constant 0 : index
    %get3A_10 = arith.constant 0 : index
    %get3A_11 = vector.load %arg3[%get3A_9, %get3A_10] : memref<64x64xf32, #tpu.memory_space<vmem>>, vector<64x64xf32>
    %dot_general3A = arith.constant dense<0.000000e+00> : vector<1000x64xf32>
    %dot_general3A_12 = tpu.matmul %add3A, %get3A_11, %dot_general3A {dimension_numbers = #tpu.dot_dimension_numbers<[1], [0], [0], [1], [0, 0, 1, 1], [], []>, transpose_lhs_hint = false} : vector<1000x64xf32>, vector<64x64xf32>, vector<1000x64xf32> -> vector<1000x64xf32>
    %get3A_13 = arith.constant 0 : index
    %get3A_14 = arith.constant 0 : index
    %get3A_15 = vector.load %arg2[%get3A_13, %get3A_14] : memref<1000x64xf32, #tpu.memory_space<vmem>>, vector<1000x64xf32>
    %get3A_16 = arith.constant 0 : index
    %get3A_17 = arith.constant 0 : index
    %get3A_18 = vector.load %arg4[%get3A_16, %get3A_17] : memref<64x64xf32, #tpu.memory_space<vmem>>, vector<64x64xf32>
    %dot_general3A_19 = arith.constant dense<0.000000e+00> : vector<1000x64xf32>
    %dot_general3A_20 = tpu.matmul %get3A_15, %get3A_18, %dot_general3A_19 {dimension_numbers = #tpu.dot_dimension_numbers<[1], [0], [0], [1], [0, 0, 1, 1], [], []>, transpose_lhs_hint = false} : vector<1000x64xf32>, vector<64x64xf32>, vector<1000x64xf32> -> vector<1000x64xf32>
    %add3A_21 = arith.addf %dot_general3A_12, %dot_general3A_20 : vector<1000x64xf32>
    %get3A_22 = arith.constant 0 : index
    %get3A_23 = arith.constant 0 : index
    %get3A_24 = vector.load %arg5[%get3A_22, %get3A_23] : memref<1x64xf32, #tpu.memory_space<vmem>>, vector<1x64xf32>
    %add3A_25 = vector.broadcast %get3A_24 : vector<1x64xf32> to vector<1000x64xf32>
    %add3A_26 = arith.addf %add3A_21, %add3A_25 : vector<1000x64xf32>
    %max3A = arith.constant 0.000000e+00 : f32
    %max3A_27 = vector.broadcast %max3A : f32 to vector<1000x64xf32>
    %max3A_28 = arith.maximumf %add3A_26, %max3A_27 : vector<1000x64xf32>
    %swap3A = arith.constant 0 : index
    %swap3A_29 = arith.constant 0 : index
    %swap3A_30 = vector.load %arg7[%swap3A, %swap3A_29] : memref<1000x64xf32, #tpu.memory_space<vmem>>, vector<1000x64xf32>
    tpu.vector_store %arg7[%swap3A, %swap3A_29], %max3A_28 {strides = array<i32>} : memref<1000x64xf32, #tpu.memory_space<vmem>>, vector<1000x64xf32>,
    %get3A_31 = arith.constant 0 : index
    %get3A_32 = arith.constant 0 : index
    %get3A_33 = arith.constant 0 : index
    %get3A_34 = vector.load %arg6[%get3A_31, %get3A_32, %get3A_33] : memref<1x1x1000xi32, #tpu.memory_space<vmem>>, vector<1x1x1000xi32>
    %get3A_35 = vector.shape_cast %get3A_34 : vector<1x1x1000xi32> to vector<1x1000xi32>
    %iota3A = tpu.iota {dimensions = array<i32: 0>} : vector<64x1000xi32>
    %eq3A = vector.broadcast %get3A_35 : vector<1x1000xi32> to vector<64x1000xi32>
    %eq3A_36 = arith.cmpi eq, %iota3A, %eq3A : vector<64x1000xi32>
    %convert_element_type3A = arith.extui %eq3A_36 : vector<64x1000xi1> to vector<64x1000xi32>
    %convert_element_type3A_37 = arith.sitofp %convert_element_type3A : vector<64x1000xi32> to vector<64x1000xf32>
    %dot_general3A_38 = arith.constant dense<0.000000e+00> : vector<64x64xf32>
    %dot_general3A_39 = tpu.matmul %convert_element_type3A_37, %max3A_28, %dot_general3A_38 {dimension_numbers = #tpu.dot_dimension_numbers<[1], [0], [0], [1], [0, 0, 1, 1], [], []>, transpose_lhs_hint = false} : vector<64x1000xf32>, vector<1000x64xf32>, vector<64x64xf32> -> vector<64x64xf32>
    %eq3A_40 = arith.constant 0 : i32
    %eq3A_41 = arith.cmpi eq, %arg0, %eq3A_40 : i32
    %convert_element_type3A_42 = arith.extui %eq3A_41 : i1 to i32
    %cond3A = arith.constant 0 : i32
    %cond3A_43 = arith.cmpi ne, %convert_element_type3A_42, %cond3A : i32
    scf.if %cond3A_43 {
      %swap3A_48 = arith.constant 0 : index
      %swap3A_49 = arith.constant 0 : index
      %swap3A_50 = vector.load %arg8[%swap3A_48, %swap3A_49] : memref<64x64xf32, #tpu.memory_space<vmem>>, vector<64x64xf32>
      tpu.vector_store %arg8[%swap3A_48, %swap3A_49], %dot_general3A_39 {strides = array<i32>} : memref<64x64xf32, #tpu.memory_space<vmem>>, vector<64x64xf32>,
    } else {
    }
    %gt3A = arith.constant 0 : i32
    %gt3A_44 = arith.cmpi sgt, %arg0, %gt3A : i32
    %convert_element_type3A_45 = arith.extui %gt3A_44 : i1 to i32
    %cond3A_46 = arith.constant 0 : i32
    %cond3A_47 = arith.cmpi ne, %convert_element_type3A_45, %cond3A_46 : i32
    scf.if %cond3A_47 {
      %get3A_48 = arith.constant 0 : index
      %get3A_49 = arith.constant 0 : index
      %get3A_50 = vector.load %arg8[%get3A_48, %get3A_49] : memref<64x64xf32, #tpu.memory_space<vmem>>, vector<64x64xf32>
      %add3A_51 = arith.addf %get3A_50, %dot_general3A_39 : vector<64x64xf32>
      %swap3A_52 = arith.constant 0 : index
      %swap3A_53 = arith.constant 0 : index
      %swap3A_54 = vector.load %arg8[%swap3A_52, %swap3A_53] : memref<64x64xf32, #tpu.memory_space<vmem>>, vector<64x64xf32>
      tpu.vector_store %arg8[%swap3A_52, %swap3A_53], %add3A_51 {strides = array<i32>} : memref<64x64xf32, #tpu.memory_space<vmem>>, vector<64x64xf32>,
    } else {
    }
    return
  }
  func.func @transform_0(%arg0: i32) -> (i32, i32, i32) {
    %c0_i32 = arith.constant 0 : i32
    %c0_i32_0 = arith.constant 0 : i32
    %c0_i32_1 = arith.constant 0 : i32
    return %c0_i32, %arg0, %c0_i32_0 : i32, i32, i32
  }
  func.func @transform_1(%arg0: i32) -> (i32, i32) {
    %c0_i32 = arith.constant 0 : i32
    %c0_i32_0 = arith.constant 0 : i32
    return %arg0, %c0_i32 : i32, i32
  }
  func.func @transform_2(%arg0: i32) -> (i32, i32) {
    %c0_i32 = arith.constant 0 : i32
    %c0_i32_0 = arith.constant 0 : i32
    %c0_i32_1 = arith.constant 0 : i32
    return %c0_i32, %c0_i32_0 : i32, i32
  }
  func.func @transform_3(%arg0: i32) -> (i32, i32) {
    %c0_i32 = arith.constant 0 : i32
    %c0_i32_0 = arith.constant 0 : i32
    %c0_i32_1 = arith.constant 0 : i32
    return %c0_i32, %c0_i32_0 : i32, i32
  }
  func.func @transform_4(%arg0: i32) -> (i32, i32) {
    %c0_i32 = arith.constant 0 : i32
    %c0_i32_0 = arith.constant 0 : i32
    %c0_i32_1 = arith.constant 0 : i32
    return %c0_i32, %c0_i32_0 : i32, i32
  }
  func.func @transform_5(%arg0: i32) -> (i32, i32, i32) {
    %c0_i32 = arith.constant 0 : i32
    %c0_i32_0 = arith.constant 0 : i32
    %c0_i32_1 = arith.constant 0 : i32
    return %arg0, %c0_i32, %c0_i32_0 : i32, i32, i32
  }
  func.func @transform_6(%arg0: i32) -> (i32, i32) {
    %c0_i32 = arith.constant 0 : i32
    %c0_i32_0 = arith.constant 0 : i32
    return %arg0, %c0_i32 : i32, i32
  }
  func.func @transform_7(%arg0: i32) -> (i32, i32) {
    %c0_i32 = arith.constant 0 : i32
    %c0_i32_0 = arith.constant 0 : i32
    %c0_i32_1 = arith.constant 0 : i32
    return %c0_i32, %c0_i32_0 : i32, i32
  }
}

module attributes {stable_mosaic.version = 14 : i64} {
  func.func @body(%arg0: i32, %arg1: memref<2x1000x64xf32, #tpu.memory_space<vmem>>, %arg2: memref<1000x64xf32, #tpu.memory_space<vmem>>, %arg3: memref<64x64xf32, #tpu.memory_space<vmem>>, %arg4: memref<64x64xf32, #tpu.memory_space<vmem>>, %arg5: memref<1x64xf32, #tpu.memory_space<vmem>>, %arg6: memref<1x1x1000xi32, #tpu.memory_space<vmem>>, %arg7: memref<1000x64xf32, #tpu.memory_space<vmem>>, %arg8: memref<64x64xf32, #tpu.memory_space<vmem>>) attributes {dimension_semantics = [#tpu.dimension_semantics<arbitrary>], iteration_bounds = array<i64: 10>, scalar_prefetch = 0 : i64, scratch_operands = 0 : i64, tpu.core_type = #tpu.core_type<tc>, window_params = [{transform_indices = @transform_0, window_bounds = array<i64: 2, 1000, 64>}, {transform_indices = @transform_1, window_bounds = array<i64: 1000, 64>}, {pipeline_mode = #tpu.pipeline_mode<synchronous>, transform_indices = @transform_2, window_bounds = array<i64: 64, 64>}, {pipeline_mode = #tpu.pipeline_mode<synchronous>, transform_indices = @transform_3, window_bounds = array<i64: 64, 64>}, {pipeline_mode = #tpu.pipeline_mode<synchronous>, transform_indices = @transform_4, window_bounds = array<i64: 1, 64>}, {transform_indices = @transform_5, window_bounds = array<i64: 1, 1, 1000>}, {transform_indices = @transform_6, window_bounds = array<i64: 1000, 64>}, {pipeline_mode = #tpu.pipeline_mode<synchronous>, transform_indices = @transform_7, window_bounds = array<i64: 64, 64>}]} {
    %get3A = arith.constant 0 : index
    %get3A_0 = arith.constant 0 : index
    %get3A_1 = arith.constant 0 : index
    %get3A_2 = vector.load %arg1[%get3A, %get3A_0, %get3A_1] : memref<2x1000x64xf32, #tpu.memory_space<vmem>>, vector<1x1000x64xf32>
    %get3A_3 = vector.shape_cast %get3A_2 : vector<1x1000x64xf32> to vector<1000x64xf32>
    %get3A_4 = arith.constant 1 : index
    %get3A_5 = arith.constant 0 : index
    %get3A_6 = arith.constant 0 : index
    %get3A_7 = vector.load %arg1[%get3A_4, %get3A_5, %get3A_6] : memref<2x1000x64xf32, #tpu.memory_space<vmem>>, vector<1x1000x64xf32>
    %get3A_8 = vector.shape_cast %get3A_7 : vector<1x1000x64xf32> to vector<1000x64xf32>
    %add3A = arith.addf %get3A_3, %get3A_8 : vector<1000x64xf32>
    %get3A_9 = arith.constant 0 : index
    %get3A_10 = arith.constant 0 : index
    %get3A_11 = vector.load %arg3[%get3A_9, %get3A_10] : memref<64x64xf32, #tpu.memory_space<vmem>>, vector<64x64xf32>
    %dot_general3A = arith.constant dense<0.000000e+00> : vector<1000x64xf32>
    %dot_general3A_12 = tpu.matmul %add3A, %get3A_11, %dot_general3A {dimension_numbers = #tpu.dot_dimension_numbers<[1], [0], [0], [1], [0, 0, 1, 1], [], []>, transpose_lhs_hint = false} : vector<1000x64xf32>, vector<64x64xf32>, vector<1000x64xf32> -> vector<1000x64xf32>
    %get3A_13 = arith.constant 0 : index
    %get3A_14 = arith.constant 0 : index
    %get3A_15 = vector.load %arg2[%get3A_13, %get3A_14] : memref<1000x64xf32, #tpu.memory_space<vmem>>, vector<1000x64xf32>
    %get3A_16 = arith.constant 0 : index
    %get3A_17 = arith.constant 0 : index
    %get3A_18 = vector.load %arg4[%get3A_16, %get3A_17] : memref<64x64xf32, #tpu.memory_space<vmem>>, vector<64x64xf32>
    %dot_general3A_19 = arith.constant dense<0.000000e+00> : vector<1000x64xf32>
    %dot_general3A_20 = tpu.matmul %get3A_15, %get3A_18, %dot_general3A_19 {dimension_numbers = #tpu.dot_dimension_numbers<[1], [0], [0], [1], [0, 0, 1, 1], [], []>, transpose_lhs_hint = false} : vector<1000x64xf32>, vector<64x64xf32>, vector<1000x64xf32> -> vector<1000x64xf32>
    %add3A_21 = arith.addf %dot_general3A_12, %dot_general3A_20 : vector<1000x64xf32>
    %get3A_22 = arith.constant 0 : index
    %get3A_23 = arith.constant 0 : index
    %get3A_24 = vector.load %arg5[%get3A_22, %get3A_23] : memref<1x64xf32, #tpu.memory_space<vmem>>, vector<1x64xf32>
    %add3A_25 = vector.broadcast %get3A_24 : vector<1x64xf32> to vector<1000x64xf32>
    %add3A_26 = arith.addf %add3A_21, %add3A_25 : vector<1000x64xf32>
    %max3A = arith.constant 0.000000e+00 : f32
    %max3A_27 = vector.broadcast %max3A : f32 to vector<1000x64xf32>
    %max3A_28 = arith.maximumf %add3A_26, %max3A_27 : vector<1000x64xf32>
    %swap3A = arith.constant 0 : index
    %swap3A_29 = arith.constant 0 : index
    %swap3A_30 = vector.load %arg7[%swap3A, %swap3A_29] : memref<1000x64xf32, #tpu.memory_space<vmem>>, vector<1000x64xf32>
    tpu.vector_store %arg7[%swap3A, %swap3A_29], %max3A_28 {strides = array<i32>} : memref<1000x64xf32, #tpu.memory_space<vmem>>, vector<1000x64xf32>,
    %get3A_31 = arith.constant 0 : index
    %get3A_32 = arith.constant 0 : index
    %get3A_33 = arith.constant 0 : index
    %get3A_34 = vector.load %arg6[%get3A_31, %get3A_32, %get3A_33] : memref<1x1x1000xi32, #tpu.memory_space<vmem>>, vector<1x1x1000xi32>
    %get3A_35 = vector.shape_cast %get3A_34 : vector<1x1x1000xi32> to vector<1x1000xi32>
    %iota3A = tpu.iota {dimensions = array<i32: 0>} : vector<64x1000xi32>
    %eq3A = vector.broadcast %get3A_35 : vector<1x1000xi32> to vector<64x1000xi32>
    %eq3A_36 = arith.cmpi eq, %iota3A, %eq3A : vector<64x1000xi32>
    %convert_element_type3A = arith.extui %eq3A_36 : vector<64x1000xi1> to vector<64x1000xi32>
    %convert_element_type3A_37 = arith.sitofp %convert_element_type3A : vector<64x1000xi32> to vector<64x1000xf32>
    %dot_general3A_38 = arith.constant dense<0.000000e+00> : vector<64x64xf32>
    %dot_general3A_39 = tpu.matmul %convert_element_type3A_37, %max3A_28, %dot_general3A_38 {dimension_numbers = #tpu.dot_dimension_numbers<[1], [0], [0], [1], [0, 0, 1, 1], [], []>, transpose_lhs_hint = false} : vector<64x1000xf32>, vector<1000x64xf32>, vector<64x64xf32> -> vector<64x64xf32>
    %eq3A_40 = arith.constant 0 : i32
    %eq3A_41 = arith.cmpi eq, %arg0, %eq3A_40 : i32
    %convert_element_type3A_42 = arith.extui %eq3A_41 : i1 to i32
    %cond3A = arith.constant 0 : i32
    %cond3A_43 = arith.cmpi ne, %convert_element_type3A_42, %cond3A : i32
    scf.if %cond3A_43 {
      %swap3A_48 = arith.constant 0 : index
      %swap3A_49 = arith.constant 0 : index
      %swap3A_50 = vector.load %arg8[%swap3A_48, %swap3A_49] : memref<64x64xf32, #tpu.memory_space<vmem>>, vector<64x64xf32>
      tpu.vector_store %arg8[%swap3A_48, %swap3A_49], %dot_general3A_39 {strides = array<i32>} : memref<64x64xf32, #tpu.memory_space<vmem>>, vector<64x64xf32>,
    } else {
    }
    %gt3A = arith.constant 0 : i32
    %gt3A_44 = arith.cmpi sgt, %arg0, %gt3A : i32
    %convert_element_type3A_45 = arith.extui %gt3A_44 : i1 to i32
    %cond3A_46 = arith.constant 0 : i32
    %cond3A_47 = arith.cmpi ne, %convert_element_type3A_45, %cond3A_46 : i32
    scf.if %cond3A_47 {
      %get3A_48 = arith.constant 0 : index
      %get3A_49 = arith.constant 0 : index
      %get3A_50 = vector.load %arg8[%get3A_48, %get3A_49] : memref<64x64xf32, #tpu.memory_space<vmem>>, vector<64x64xf32>
      %add3A_51 = arith.addf %get3A_50, %dot_general3A_39 : vector<64x64xf32>
      %swap3A_52 = arith.constant 0 : index
      %swap3A_53 = arith.constant 0 : index
      %swap3A_54 = vector.load %arg8[%swap3A_52, %swap3A_53] : memref<64x64xf32, #tpu.memory_space<vmem>>, vector<64x64xf32>
      tpu.vector_store %arg8[%swap3A_52, %swap3A_53], %add3A_51 {strides = array<i32>} : memref<64x64xf32, #tpu.memory_space<vmem>>, vector<64x64xf32>,
    } else {
    }
    return
  }
  func.func @transform_0(%arg0: i32) -> (i32, i32, i32) {
    %c0_i32 = arith.constant 0 : i32
    %c0_i32_0 = arith.constant 0 : i32
    %c0_i32_1 = arith.constant 0 : i32
    return %c0_i32, %arg0, %c0_i32_0 : i32, i32, i32
  }
  func.func @transform_1(%arg0: i32) -> (i32, i32) {
    %c0_i32 = arith.constant 0 : i32
    %c0_i32_0 = arith.constant 0 : i32
    return %arg0, %c0_i32 : i32, i32
  }
  func.func @transform_2(%arg0: i32) -> (i32, i32) {
    %c0_i32 = arith.constant 0 : i32
    %c0_i32_0 = arith.constant 0 : i32
    %c0_i32_1 = arith.constant 0 : i32
    return %c0_i32, %c0_i32_0 : i32, i32
  }
  func.func @transform_3(%arg0: i32) -> (i32, i32) {
    %c0_i32 = arith.constant 0 : i32
    %c0_i32_0 = arith.constant 0 : i32
    %c0_i32_1 = arith.constant 0 : i32
    return %c0_i32, %c0_i32_0 : i32, i32
  }
  func.func @transform_4(%arg0: i32) -> (i32, i32) {
    %c0_i32 = arith.constant 0 : i32
    %c0_i32_0 = arith.constant 0 : i32
    %c0_i32_1 = arith.constant 0 : i32
    return %c0_i32, %c0_i32_0 : i32, i32
  }
  func.func @transform_5(%arg0: i32) -> (i32, i32, i32) {
    %c0_i32 = arith.constant 0 : i32
    %c0_i32_0 = arith.constant 0 : i32
    %c0_i32_1 = arith.constant 0 : i32
    return %arg0, %c0_i32, %c0_i32_0 : i32, i32, i32
  }
  func.func @transform_6(%arg0: i32) -> (i32, i32) {
    %c0_i32 = arith.constant 0 : i32
    %c0_i32_0 = arith.constant 0 : i32
    return %arg0, %c0_i32 : i32, i32
  }
  func.func @transform_7(%arg0: i32) -> (i32, i32) {
    %c0_i32 = arith.constant 0 : i32
    %c0_i32_0 = arith.constant 0 : i32
    %c0_i32_1 = arith.constant 0 : i32
    return %c0_i32, %c0_i32_0 : i32, i32
  }
}

module attributes {stable_mosaic.version = 14 : i64} {
  func.func @body(%arg0: memref<64x64xf32, #tpu.memory_space<vmem>>, %arg1: memref<64x64xf32, #tpu.memory_space<vmem>>, %arg2: memref<64x64xf32, #tpu.memory_space<vmem>>, %arg3: memref<64x1xf32, #tpu.memory_space<vmem>>, %arg4: memref<192x64xf32, #tpu.memory_space<vmem>>, %arg5: memref<1x64xf32, #tpu.memory_space<vmem>>, %arg6: memref<64x16xf32, #tpu.memory_space<vmem>>, %arg7: memref<1x16xf32, #tpu.memory_space<vmem>>, %arg8: memref<64x16xf32, #tpu.memory_space<vmem>>) attributes {dimension_semantics = [], scalar_prefetch = 0 : i64, scratch_operands = 0 : i64, tpu.core_type = #tpu.core_type<tc>} {
    %get3A = arith.constant 0 : index
    %get3A_0 = arith.constant 0 : index
    %get3A_1 = vector.load %arg3[%get3A, %get3A_0] : memref<64x1xf32, #tpu.memory_space<vmem>>, vector<64x1xf32>
    %max3A = arith.constant 1.000000e+00 : f32
    %max3A_2 = vector.broadcast %max3A : f32 to vector<64x1xf32>
    %max3A_3 = arith.maximumf %get3A_1, %max3A_2 : vector<64x1xf32>
    %div3A = arith.constant 1.000000e+00 : f32
    %div3A_4 = vector.broadcast %div3A : f32 to vector<64x1xf32>
    %div3A_5 = arith.divf %div3A_4, %max3A_3 : vector<64x1xf32>
    %get3A_6 = arith.constant 0 : index
    %get3A_7 = arith.constant 0 : index
    %get3A_8 = vector.load %arg0[%get3A_6, %get3A_7] : memref<64x64xf32, #tpu.memory_space<vmem>>, vector<64x64xf32>
    %get3A_9 = arith.constant 0 : index
    %get3A_10 = arith.constant 0 : index
    %get3A_11 = vector.load %arg1[%get3A_9, %get3A_10] : memref<64x64xf32, #tpu.memory_space<vmem>>, vector<64x64xf32>
    %get3A_12 = arith.constant 0 : index
    %get3A_13 = arith.constant 0 : index
    %get3A_14 = vector.load %arg2[%get3A_12, %get3A_13] : memref<64x64xf32, #tpu.memory_space<vmem>>, vector<64x64xf32>
    %concatenate3A = tpu.concatenate %get3A_8, %get3A_11, %get3A_14 in 1 : vector<64x64xf32>, vector<64x64xf32>, vector<64x64xf32> -> vector<64x192xf32>
    %mul3A = vector.broadcast %div3A_5 : vector<64x1xf32> to vector<64x192xf32>
    %mul3A_15 = arith.mulf %concatenate3A, %mul3A : vector<64x192xf32>
    %get3A_16 = arith.constant 0 : index
    %get3A_17 = arith.constant 0 : index
    %get3A_18 = vector.load %arg4[%get3A_16, %get3A_17] : memref<192x64xf32, #tpu.memory_space<vmem>>, vector<192x64xf32>
    %dot_general3A = arith.constant dense<0.000000e+00> : vector<64x64xf32>
    %dot_general3A_19 = tpu.matmul %mul3A_15, %get3A_18, %dot_general3A {dimension_numbers = #tpu.dot_dimension_numbers<[1], [0], [0], [1], [0, 0, 1, 1], [], []>, transpose_lhs_hint = false} : vector<64x192xf32>, vector<192x64xf32>, vector<64x64xf32> -> vector<64x64xf32>
    %get3A_20 = arith.constant 0 : index
    %get3A_21 = arith.constant 0 : index
    %get3A_22 = vector.load %arg5[%get3A_20, %get3A_21] : memref<1x64xf32, #tpu.memory_space<vmem>>, vector<1x64xf32>
    %add3A = vector.broadcast %get3A_22 : vector<1x64xf32> to vector<64x64xf32>
    %add3A_23 = arith.addf %dot_general3A_19, %add3A : vector<64x64xf32>
    %max3A_24 = arith.constant 0.000000e+00 : f32
    %max3A_25 = vector.broadcast %max3A_24 : f32 to vector<64x64xf32>
    %max3A_26 = arith.maximumf %add3A_23, %max3A_25 : vector<64x64xf32>
    %get3A_27 = arith.constant 0 : index
    %get3A_28 = arith.constant 0 : index
    %get3A_29 = vector.load %arg6[%get3A_27, %get3A_28] : memref<64x16xf32, #tpu.memory_space<vmem>>, vector<64x16xf32>
    %dot_general3A_30 = arith.constant dense<0.000000e+00> : vector<64x16xf32>
    %dot_general3A_31 = tpu.matmul %max3A_26, %get3A_29, %dot_general3A_30 {dimension_numbers = #tpu.dot_dimension_numbers<[1], [0], [0], [1], [0, 0, 1, 1], [], []>, transpose_lhs_hint = false} : vector<64x64xf32>, vector<64x16xf32>, vector<64x16xf32> -> vector<64x16xf32>
    %get3A_32 = arith.constant 0 : index
    %get3A_33 = arith.constant 0 : index
    %get3A_34 = vector.load %arg7[%get3A_32, %get3A_33] : memref<1x16xf32, #tpu.memory_space<vmem>>, vector<1x16xf32>
    %add3A_35 = vector.broadcast %get3A_34 : vector<1x16xf32> to vector<64x16xf32>
    %add3A_36 = arith.addf %dot_general3A_31, %add3A_35 : vector<64x16xf32>
    %swap3A = arith.constant 0 : index
    %swap3A_37 = arith.constant 0 : index
    %swap3A_38 = vector.load %arg8[%swap3A, %swap3A_37] : memref<64x16xf32, #tpu.memory_space<vmem>>, vector<64x16xf32>
    tpu.vector_store %arg8[%swap3A, %swap3A_37], %add3A_36 {strides = array<i32>} : memref<64x16xf32, #tpu.memory_space<vmem>>, vector<64x16xf32>,
    return
  }
}

</mosaic_0001>

<sc_bundles>
// kernel: kernel.10.cloned.1.call-start
scs
__scs_entry_jumppad:
0x0: {  	(pc) =	sbr.rel $0x88, $3  }
0x1: {  	(tag) =	ssettag $0x0;
	lr =	simm.s32 $0x1  }
0x2: {  	[smem:$0x3F91] =	sst lr;
	_ =	strace $0xD0000000  }
0x3: {  	_ = 	snop  }
0x4: {  	_ = 	snop  }
0x5: {  	_ = 	snop  }
0x6: {  	_ = 	snop  }
0x7: {  	_ = 	snop  }
__scs_overlays_trampoline_lowered:
0x8: {  	[smem:$0x3FA0] =	sst s0  }
0x9: {  	[smem:$0x3FA1] =	sst s1  }
0xa: {  	[smem:$0x3FA2] =	sst s2  }
0xb: {  	[smem:$0x3FA3] =	sst s3  }
0xc: {  	[smem:$0x3FA4] =	sst s4  }
0xd: {  	[smem:$0x3FA5] =	sst s5  }
0xe: {  	[smem:$0x3FA6] =	sst s6  }
0xf: {  	[smem:$0x3FA7] =	sst s7  }
0x10: {  	[smem:$0x3FA8] =	sst s8  }
0x11: {  	[smem:$0x3FA9] =	sst s9;
	s0 =	simm.s32 @!p0 $0x0  }
0x12: {  	s1 =	sld [smem:$0x3F8F];
	s0 =	simm.s32 @p0 $0x1  }
0x13: {  	[smem:$0x3FAA] =	sst s0;
	s0 =	simm.s32 @!p1 $0x0  }
0x14: {  	s2 =	sld [smem:$0x3F8E];
	s0 =	simm.s32 @p1 $0x1  }
0x15: {  	[smem:$0x3FAB] =	sst s0;
	s0 =	simm.s32 @!p2 $0x0  }
0x16: {  	s3 =	sld [smem:$0x3FDB];
	s0 =	simm.s32 @p2 $0x1  }
0x17: {  	s4 =	simm.s32 $0x1BF5;
	[smem:$0x3FAD] =	sst s0  }
0x18: {  	s0 =	sld [smem:$0x3F90];
	_ =	swait.ge [sflag:s4], $0x0  }
0x19: {  	s7 =	sld [smem:$0x3F91]  }
0x1a: {  	s8 =	sadd.s32 $0xFFFFE003, lr  }
0x1b: {  	s9 =	sadd.s32 $0xFFFFFEF7, lr;
	s5 =	simm.s32 $0xFFFFFFFF;
	p2 =	slt.u32 s8, $0xFFFFF086  }
0x1c: {  	p1 =	slt.u32 s9, $0xF7A;
	s5 =	simm.s32 @!p2 $0x0  }
0x1d: {  	s5 =	simm.s32 @p1 $0x1;
	p0 =	seq.s32 s7, s2  }
0x1e: {  	s7 =	smul.u32 @!p0 $0xF7A, s2;
	p2 =	seq.s32 @!p0 s5, $0x0  }
0x1f: {  	s9 =	smul.u32 $0xF7A, s1;
	s8 =	simm.s32 @!p0 $0x1BF5;
	p2 =	por !p2, p0  }
0x20: {  	[sflag:s8] =	ssyncset.s32 @!p0 $0xFFFFF086;
	s6 =	sadd.s32 @!p0 s3, s7;
	s7 =	simm.s32 @!p0 $0x108  }
0x21: {  	s3 =	sadd.s32 s3, s9;
	s6 =	sadd.s32 @!p0 $0x88, s6;
	s7 =	simm.s32 @p2 $0x1082  }
0x22: {  	[simem:s7], [sflag:s8] =	dma.local @!p0 [hbm:s6], $0xF7A  }
0x23: {  	s9 =	sor.u32 $0xD0000000, s2;
	s6 =	simm.s32 $0x108;
	_ =	swait.ge @!p0 [sflag:s8], $0x0  }
0x24: {  	s3 =	sadd.s32 $0x88, s3;
	s6 =	simm.s32 @!p1 $0x1082;
	[sflag:s4] =	ssyncset.s32 $0xFFFFF086  }
0x25: {  	[simem:s6], [sflag:s4] =	dma.local [hbm:s3], $0xF7A  }
0x26: {  	[smem:$0x3F91] =	sst s1;
	(tag) =	ssettag s2;
	_ =	strace s9  }
0x27: {  	s1 =	sld [smem:$0x3FA1]  }
0x28: {  	s2 =	sld [smem:$0x3FA2]  }
0x29: {  	s4 =	sld [smem:$0x3FA4]  }
0x2a: {  	p0 =	seq.s32 s5, $0x0;
	s5 =	sld [smem:$0x3FA5]  }
0x2b: {  	s6 =	sld [smem:$0x3FA6]  }
0x2c: {  	s7 =	sld [smem:$0x3FA7]  }
0x2d: {  	s3 =	simm.s32 $0x108;
	s8 =	sld [smem:$0x3FA8]  }
0x2e: {  	s3 =	simm.s32 @!p0 $0x1082;
	s9 =	sld [smem:$0x3FA9]  }
0x2f: {  	lr =	sadd.s32 s0, s3;
	s0 =	sld [smem:$0x3FA0]  }
0x30: {  	s3 =	sld [smem:$0x3FA3]  }
0x31: {  	[smem:$0x3FAC] =	sst s10  }
0x32: {  	s10 =	sld [smem:$0x3FAA];
	_ =	sdelay $0x3  }
0x33: {  	p0 =	seq.s32 s10, $0x1;
	s10 =	sld [smem:$0x3FAC];
	_ =	sdelay $0x3  }
0x34: {  	[smem:$0x3FAC] =	sst s10  }
0x35: {  	s10 =	sld [smem:$0x3FAB];
	_ =	sdelay $0x3  }
0x36: {  	p1 =	seq.s32 s10, $0x1;
	s10 =	sld [smem:$0x3FAC];
	_ =	sdelay $0x3  }
0x37: {  	[smem:$0x3FAC] =	sst s10  }
0x38: {  	s10 =	sld [smem:$0x3FAD]  }
0x39: {  	_ = 	snop;
	(pc) =	sbr.ind lr, $3  }
0x3a: {  	_ = 	snop  }
0x3b: {  	_ = 	snop  }
0x3c: {  	p2 =	seq.s32 s10, $0x1;
	s10 =	sld [smem:$0x3FAC]  }
0x3d: {  	_ =	shalt  }
0x3e: {  	_ =	shalt  }
0x3f: {  	_ =	shalt  }
0x40: {  	_ =	shalt  }
0x41: {  	_ =	shalt  }
0x42: {  	_ =	shalt  }
0x43: {  	_ =	shalt  }
0x44: {  	_ =	shalt  }
0x45: {  	_ =	shalt  }
0x46: {  	_ =	shalt  }
0x47: {  	_ =	shalt  }
0x48: {  	_ =	shalt  }
0x49: {  	_ =	shalt  }
0x4a: {  	_ =	shalt  }
0x4b: {  	_ =	shalt  }
0x4c: {  	_ =	shalt  }
0x4d: {  	_ =	shalt  }
0x4e: {  	_ =	shalt  }
0x4f: {  	_ =	shalt  }
0x50: {  	_ =	shalt  }
0x51: {  	_ =	shalt  }
0x52: {  	_ =	shalt  }
0x53: {  	_ =	shalt  }
0x54: {  	_ =	shalt  }
0x55: {  	_ =	shalt  }
0x56: {  	_ =	shalt  }
0x57: {  	_ =	shalt  }
0x58: {  	_ =	shalt  }
0x59: {  	_ =	shalt  }
0x5a: {  	_ =	shalt  }
0x5b: {  	_ =	shalt  }
0x5c: {  	_ =	shalt  }
0x5d: {  	_ =	shalt  }
0x5e: {  	_ =	shalt  }
0x5f: {  	_ =	shalt  }
0x60: {  	_ =	shalt  }
0x61: {  	_ =	shalt  }
0x62: {  	_ =	shalt  }
0x63: {  	_ =	shalt  }
0x64: {  	_ =	shalt  }
0x65: {  	_ =	shalt  }
0x66: {  	_ =	shalt  }
0x67: {  	_ =	shalt  }
0x68: {  	_ =	shalt  }
0x69: {  	_ =	shalt  }
0x6a: {  	_ =	shalt  }
0x6b: {  	_ =	shalt  }
0x6c: {  	_ =	shalt  }
0x6d: {  	_ =	shalt  }
0x6e: {  	_ =	shalt  }
0x6f: {  	_ =	shalt  }
0x70: {  	_ =	shalt  }
0x71: {  	_ =	shalt  }
0x72: {  	_ =	shalt  }
0x73: {  	_ =	shalt  }
0x74: {  	_ =	shalt  }
0x75: {  	_ =	shalt  }
0x76: {  	_ =	shalt  }
0x77: {  	_ =	shalt  }
0x78: {  	_ =	shalt  }
0x79: {  	_ =	shalt  }
0x7a: {  	_ =	shalt  }
0x7b: {  	_ =	shalt  }
0x7c: {  	_ =	shalt  }
0x7d: {  	_ =	shalt  }
0x7e: {  	_ =	shalt  }
0x7f: {  	_ =	shalt  }
0x80: {  	_ =	shalt  }
0x81: {  	_ =	shalt  }
0x82: {  	_ =	shalt  }
0x83: {  	_ =	shalt  }
0x84: {  	_ =	shalt  }
0x85: {  	_ =	shalt  }
0x86: {  	_ =	shalt  }
0x87: {  	_ =	shalt  }
.Lfunc_end0:
.L_simem_size_0:
called_computation_lowered:
.L_overlay_start_0:
0x88: {  	s2 =	sld [smem:$0x3FD9]  }
0x89: {  	s3 =	sld [smem:$0x3FFE];
	_ =	sdelay $0x1  }
0x8a: {  	s1 =	srdreg.scid  }
0x8b: {  	s0 =	sand.u32 $0x1, s1  }
0x8c: {  	s16 =	sshll.u32 s0, $0xA;
	s2 =	sadd.s32 s3, s2  }
0x8d: {  	s2 =	sadd.s32 s2, s16  }
0x8e: {  	[smem:$0x3FB8] =	sst s2  }
0x8f: {  	_ = 	snop  }
0x90: {  	(tm) =	ssettm $0x1  }
0x91: {  	s17 =	sld [smem:$0x3FFB];
	_ =	sdelay $0x3  }
0x92: {  	_ =	strace s17  }
0x93: {  	s2 =	sld [smem:$0x3FFC];
	_ =	sdelay $0x3  }
0x94: {  	_ =	strace s2  }
0x95: {  	s2 =	sld [smem:$0x3FFD];
	_ =	sdelay $0x3  }
0x96: {  	_ =	strace s2  }
0x97: {  	_ =	strace $0x8FFFFFFF  }
0x98: {  	s18 =	sld [smem:$0x3FDB];
	_ =	sdelay $0x1  }
0x99: {  	s19 =	simm.s32 $_scs_section_size  }
0x9a: {  	s4 =	simm.s32 $_size__tile_overlayer_lowered;
	s5 =	simm.s32 $_tile_overlayer_lowered  }
0x9b: {  	s22 =	simm.s32 $0x1BFF;
	s21 =	sshll.u32 s5, $0x1;
	s2 =	sadd.s32 s19, s18  }
0x9c: {  	s6 =	simm.s32 $0x0;
	s20 =	sshll.u32 s4, $0x1;
	s4 =	sadd.s32 s21, s2  }
0x9d: {  	[timem:s6], [sflag:s22] =	dma.local [hbm:s4], s20  }
0x9e: {  	_ =	swait.ge [sflag:s22], s20  }
0x9f: {  	s3 =	ssub.s32 $0x0, s20;
	[sflag:s22] =	ssyncset.done $0x0  }
0xa0: {  	[sflag:s22] =	ssyncadd.s32 s3;
	_ =	sdelay $0x1  }
0xa1: {  	s23 =	simm.s32 $0x1B8B  }
0xa2: {  	_ =	swait.ge [sflag:s23], $0x1  }
0xa3: {  	[sflag:s23] =	ssyncset.done $0x0  }
0xa4: {  	s25 =	simm.s32 $0x1B8E;
	s24 =	sld [smem:$0x3FFE];
	[sflag:s23] =	ssyncadd.s32 $0xFFFFFFFF  }
0xa5: {  	s26 =	simm.s32 $execute0_lowered;
	[smem:$0x3FD2] =	sst s25  }
0xa6: {  	s4 =	sshll.u32 s26, $0x1;
	_ =	strace $0x80000046;
	[dreg:$0x1] =	wrdreg $0xFFFFFFFF  }
0xa7: {  	s28 =	simm.s32 $_size_execute0_lowered;
	s2 =	sadd.s32 s2, s4;
	[dreg:$0x0] =	wrdreg $0x0  }
0xa8: {  	s4 =	sshll.u32 s28, $0x1;
	[dreg:$0x2] =	wrdreg s2  }
0xa9: {  	[dreg:$0x3] =	wrdreg s4  }
0xaa: {  	[dreg:$0x4] =	wrdreg $0xC0  }
0xab: {  	_ =	task [dreg:s6], $0x5FFFF  }
0xac: {  	[dreg:$0x1] =	wrdreg $0xFFFFFFFF  }
0xad: {  	[dreg:$0x0] =	wrdreg $0x60  }
0xae: {  	[dreg:$0x2] =	wrdreg s24  }
0xaf: {  	[dreg:$0x3] =	wrdreg $0x6F000  }
0xb0: {  	[dreg:$0x4] =	wrdreg $0x9  }
0xb1: {  	_ =	task.clear_ibuf [dreg:s6], $0x5FFFF;
	_ =	strace $0x90000046  }
0xb2: {  	s29 =	simm.s32 $0x9;
	_ =	strace $0x80000048  }
0xb3: {  	_ =	swait.ge [sflag:s29], $0x1  }
0xb4: {  	[sflag:s29] =	ssyncadd.s32 $0xFFFFFFFF  }
0xb5: {  	_ =	strace $0x90000048  }
0xb6: {  	_ =	sfence  }
0xb7: {  	s30 =	sld [smem:$0x0];
	_ =	sdelay $0x2  }
0xb8: {  	s31 =	sshll.u32 s1, $0xD;
	s1 =	sshrl.u32 s1, $0x2  }
0xb9: {  	s3 =	sand.u32 $0x4000, s31;
	s1 =	sadd.s32 s1, s30  }
0xba: {  	s0 =	sor.u32 s3, s0;
	s1 =	sshll.u32 s1, $0x11  }
0xbb: {  	s0 =	sor.u32 s1, s0  }
0xbc: {  	s0 =	sadd.s32 $0x8F2B, s0  }
0xbd: {  	[sflag:s0] =	ssyncadd.remote.s32 $0x1  }
0xbe: {  	_ =	sfence.sel $0xFFFF  }
0xbf: {  	[dreg:$0x0] =	wrdreg $0xFFFFFFFF;
	(pc) =	sbr.abs _section_cstart, $3  }
0xc0: {  	[dreg:$0x1] =	wrdreg $0xFFFFFFFF  }
0xc1: {  	_ =	task.clear_ibuf [dreg:s6], $0x2FFFF;
	_ =	strace $0x9FFFFFFF  }
0xc2: {  	(tm) =	ssettm $0x7FFFFFFF  }
0xc3: {  	_ =	shalt  }
tec
execute0_lowered:
.L_overlay_start_1:
0x0: {  	(tag) =	ssettag $0x1  }
0x1: {  	s5 =	rddreg [dreg:$0x0];
	s1 =	srdreg.scid  }
0x2: {  	s0 =	stileid.u32;
	s2 =	rddreg [dreg:$0x1]  }
0x3: {  	s3 =	simm.s32 $0x0;
	s18 =	simm.s32 $0x80;
	s19 =	simm.s32 $0x1  }
0x4: {  	s6 =	sand.u32 $0x1, s1;
	s4 =	sshll.u32 s0, $0x1;
	s1 =	rddreg [dreg:$0x2]  }
0x5: {  	[smem:$0x7FF] =	sst s3;
	s8 =	smul.u32 $0x28000, s0;
	s13 =	sadd.s32 $0x29E00, s5  }
0x6: {  	s14 =	smul.u32 $0x9C00, s0;
	s20 =	sadd.s32 $0x92400, s2;
	p0 =	seq.s32 s0, $0xF  }
0x7: {  	s4 =	sor.u32 s6, s4;
	_ =	strace $0x80000047;
	s12 =	smul.u32 $0x9C400, s6  }
0x8: {  	s29 =	ssub.s32 $0x2, s6;
	s20 =	sshrl.u32 @p0 s20, $0x3;
	s7 =	smul.u32 $0x4F0, s4  }
0x9: {  	s4 =	sadd.s32 $0x2800, s5;
	s30 =	sshrl.u32 s8, $0x2;
	s31 =	sshrl.u32 s29, $0x1  }
0xa: {  	s21 =	sadd.s32 s14, s2;
	s15 =	ssub.s32 s29, s31;
	s16 =	sadd.s32 s14, s12  }
0xb: {  	s17 =	sshrl.u32 s12, $0x3;
	s21 =	sshrl.u32 @!p0 s21, $0x3;
	s11 =	sadd.s32 s7, s5  }
0xc: {  	s5 =	sadd.s32 s30, s2;
	s16 =	sshrl.u32 s16, $0x3;
	s14 =	smax.u32 s15, $0x1  }
0xd: {  	s15 =	simm.s32 $0x4F00;
	s6 =	sadd.s32 $0x2000, s5;
	s7 =	sadd.s32 $0x4000, s5  }
0xe: {  	s8 =	sadd.s32 $0x6000, s5;
	s9 =	sadd.s32 $0x8000, s5;
	s10 =	sadd.s32 $0x16200, s11  }
0xf: {  	s11 =	sadd.s32 $0x20000, s11;
	s12 =	sadd.s32 s13, s16;
	s13 =	sadd.s32 s13, s17  }
0x10: {  	v0 =	vimm.f32 $0.0e+00;
	s16 =	simm.s32 $0x2;
	s17 =	simm.s32 $0x2780;
	s13 =	sadd.s32 $0x12480, s13  }
.LBB2_1:
0x11: {  	s23 =	simm.s32 $0x100;
	s22 =	simm.s32 $0x0  }
.LBB2_2:
0x12: {  	p1 =	sne.s32 s23, $0x7F00;
	[tilespmem:s22+$0x4F30] =	vst v0;
	s24 =	smov.u32 s23;
	s23 =	sadd.s32 $0x100, s23  }
.Ltmp0:
0x13: {  	[tilespmem:s22+$0x4F20] =	vst v0;
	(pc) =	sbr.rel @p1 .LBB2_2-.Ltmp0, $3  }
0x14: {  	[tilespmem:s22+$0x4F00] =	vst v0  }
0x15: {  	[tilespmem:s22+$0x4F10] =	vst v0;
	_ =	sdelay $0x1  }
0x16: {  	s22 =	sshra.s32 s24, $0x2  }
0x17: {  	[tilespmem:s22+$0x4F30] =	vst v0  }
0x18: {  	[tilespmem:s22+$0x4F20] =	vst v0  }
0x19: {  	[tilespmem:s22+$0x4F00] =	vst v0  }
0x1a: {  	[tilespmem:s22+$0x4F10] =	vst v0  }
0x1b: {  	[spmem:s5] =	stream.linear.scatter [tilespmem:s15], [sflag:$0x2], $0x2000, $0x38;
	[tilespmem:$0x10F00] =	vst v63  }
0x1c: {  	_ =	swait.ge [sflag:s16], $0x2000  }
0x1d: {  	[sflag:s16] =	ssyncset.done $0x0  }
0x1e: {  	[sflag:s16] =	ssyncadd.s32 $0xFFFFE000  }
0x1f: {  	[spmem:s6] =	stream.linear.scatter [tilespmem:s15], [sflag:$0x2], $0x2000, $0x38;
	[tilespmem:$0x10F00] =	vst v63  }
0x20: {  	_ =	swait.ge [sflag:s16], $0x2000  }
0x21: {  	[sflag:s16] =	ssyncset.done $0x0  }
0x22: {  	[sflag:s16] =	ssyncadd.s32 $0xFFFFE000  }
0x23: {  	[spmem:s7] =	stream.linear.scatter [tilespmem:s15], [sflag:$0x2], $0x2000, $0x38;
	[tilespmem:$0x10F00] =	vst v63  }
0x24: {  	_ =	swait.ge [sflag:s16], $0x2000  }
0x25: {  	[sflag:s16] =	ssyncset.done $0x0  }
0x26: {  	[sflag:s16] =	ssyncadd.s32 $0xFFFFE000  }
0x27: {  	[spmem:s8] =	stream.linear.scatter [tilespmem:s15], [sflag:$0x2], $0x2000, $0x38;
	[tilespmem:$0x10F00] =	vst v63  }
0x28: {  	_ =	swait.ge [sflag:s16], $0x2000  }
0x29: {  	[sflag:s16] =	ssyncset.done $0x0  }
0x2a: {  	[sflag:s16] =	ssyncadd.s32 $0xFFFFE000  }
0x2b: {  	[spmem:s9] =	stream.linear.scatter [tilespmem:s15], [sflag:$0x2], $0x2000, $0x38;
	[tilespmem:$0x10F00] =	vst v63  }
0x2c: {  	_ =	swait.ge [sflag:s16], $0x2000  }
0x2d: {  	[sflag:s16] =	ssyncset.done $0x0  }
0x2e: {  	s29 =	simm.s32 $0x0;
	[sflag:s16] =	ssyncadd.s32 $0xFFFFE000  }
0x2f: {  	[tilespmem:s29], [sflag:$0x2] =	stream.linear.gather [hbm4b:s10+s29], $0x2780, $0x38;
	[tilespmem:$0x10F00] =	vst v63  }
0x30: {  	_ =	swait.ge [sflag:s16], $0x2780  }
0x31: {  	[sflag:s16] =	ssyncset.done $0x0  }
0x32: {  	[sflag:s16] =	ssyncadd.s32 $0xFFFFD880  }
0x33: {  	[tilespmem:s17], [sflag:$0x2] =	stream.linear.gather [hbm4b:s11+s29], $0x2780, $0x38;
	[tilespmem:$0x10F00] =	vst v63  }
0x34: {  	_ =	swait.ge [sflag:s16], $0x2780  }
0x35: {  	[sflag:s16] =	ssyncset.done $0x0  }
0x36: {  	[sflag:s16] =	ssyncadd.s32 $0xFFFFD880  }
0x37: {  	s30 =	simm.s32 $0x0;
	[bflag:$0x0] =	sbarrier.arrive $0xFFFF  }
0x38: {  	[tilespmem:s15], [sflag:$0x1] =	stream.indirect.gather [hbm4b:s4+s18], $0x40, s30, s18, $0xb8;
	[tilespmem:$0x10F00] =	vst v63  }
0x39: {  	_ =	swait.ge [sflag:s19], $0x2000  }
0x3a: {  	[sflag:s19] =	ssyncset.done $0x0  }
0x3b: {  	s31 =	simm.s32 $0x2780;
	[sflag:s19] =	ssyncadd.s32 $0xFFFFE000  }
0x3c: {  	[spmem:s2] =	stream.indirect.scatter.add.f32 [tilespmem:s15], [sflag:$0x2], $0x40, s31, s18, $0xb8;
	[tilespmem:$0x10F00] =	vst v63  }
0x3d: {  	_ =	swait.ge [sflag:s16], $0x2000  }
0x3e: {  	s22 =	simm.s32 $0x200;
	s23 =	simm.s32 $0x400;
	[sflag:s16] =	ssyncset.done $0x0  }
.LBB2_4:
0x3f: {  	s24 =	sshra.s32 s22, $0x2  }
0x40: {  	[sflag:s16] =	ssyncadd.s32 $0xFFFFE000;
	s22 =	smov.u32 s23;
	s25 =	sadd.s32 $0x200, s23  }
0x41: {  	[tilespmem:s15], [sflag:$0x1] =	stream.indirect.gather [hbm4b:s4+s18], $0x40, s24, s18, $0xb8;
	[tilespmem:$0x10F00] =	vst v63  }
0x42: {  	p1 =	sne.s32 s23, $0x9C00;
	_ =	swait.ge [sflag:s19], $0x2000  }
.Ltmp1:
0x43: {  	[sflag:s19] =	ssyncset.done $0x0;
	(pc) =	sbr.rel @p1 .LBB2_4-.Ltmp1, $4  }
0x44: {  	s23 =	sadd.s32 $0x2780, s24;
	[sflag:s19] =	ssyncadd.s32 $0xFFFFE000  }
0x45: {  	[spmem:s2] =	stream.indirect.scatter.add.f32 [tilespmem:s15], [sflag:$0x2], $0x40, s23, s18, $0xb8;
	[tilespmem:$0x10F00] =	vst v63  }
0x46: {  	_ =	swait.ge [sflag:s16], $0x2000  }
0x47: {  	s23 =	smov.u32 s25;
	[sflag:s16] =	ssyncset.done $0x0  }
0x48: {  	s22 =	sshra.s32 s22, $0x2;
	[sflag:s16] =	ssyncadd.s32 $0xFFFFE000  }
0x49: {  	[tilespmem:s15], [sflag:$0x1] =	stream.indirect.gather [hbm4b:s4+s18], $0x40, s22, s18, $0xb8;
	[tilespmem:$0x10F00] =	vst v63  }
0x4a: {  	_ =	swait.ge [sflag:s19], $0x2000  }
0x4b: {  	[sflag:s19] =	ssyncset.done $0x0  }
0x4c: {  	s22 =	sadd.s32 $0x2780, s22;
	[sflag:s19] =	ssyncadd.s32 $0xFFFFE000  }
0x4d: {  	[spmem:s2] =	stream.indirect.scatter.add.f32 [tilespmem:s15], [sflag:$0x2], $0x40, s22, s18, $0xb8;
	[tilespmem:$0x10F00] =	vst v63  }
0x4e: {  	_ =	swait.ge [sflag:s16], $0x2000  }
0x4f: {  	[sflag:s16] =	ssyncset.done $0x0  }
0x50: {  	[sflag:s16] =	ssyncadd.s32 $0xFFFFE000  }
0x51: {  	s22 =	simm.s32 @p0 $0x1FC2;
	[bflag:$0x0] =	sbarrier.arrive $0xFFFF  }
0x52: {  	[hbm:s13], [sflag:s22] =	dma.local @p0 [spmem:s20], $0x1400  }
0x53: {  	s22 =	simm.s32 @p0 $0x2  }
0x54: {  	_ =	swait.ge @p0 [sflag:s22], $0x1400  }
0x55: {  	s23 =	sshll.u32 @!p0 s0, $0x6;
	s3 =	sadd.s32 $0x1, s3;
	[sflag:s22] =	ssyncset.done @p0 $0x0  }
0x56: {  	p1 =	sne.s32 s3, s14;
	[sflag:s22] =	ssyncadd.s32 @p0 $0xFFFFEC00;
	s22 =	sor.u32 @!p0 $0x1C02, s23  }
0x57: {  	[hbm:s12], [sflag:s22] =	dma.local @!p0 [spmem:s21], $0x1380  }
.Ltmp2:
0x58: {  	_ = 	snop;
	(pc) =	sbr.rel @p1 .LBB2_1-.Ltmp2, $4  }
0x59: {  	s22 =	simm.s32 @!p0 $0x2  }
0x5a: {  	_ =	swait.ge @!p0 [sflag:s22], $0x1380  }
0x5b: {  	[sflag:s22] =	ssyncset.done @!p0 $0x0  }
0x5c: {  	[sflag:s22] =	ssyncadd.s32 @!p0 $0xFFFFEC80  }
0x5d: {  	_ =	sfence.sel $0x180000  }
0x5e: {  	[bflag:$0x0] =	sbarrier.arrive $0xFFFF  }
0x5f: {  	p0 =	sne.s32 s0, $0x0;
	_ =	strace $0x90000047  }
0x60: {  	s0 =	sadd.s32 @!p0 $0x100000, s1;
	[bflag:$0x2] =	sbarrier.arrive $0xFFFF  }
0x61: {  	[sflag:s0] =	ssyncadd.tile.s32 @!p0 $0x1;
	_ =	shalt  }
.Lfunc_end2:
_tile_overlayer_lowered:
.L_overlay_start_2:
0x62: {  	(tag) =	ssettag $0x2  }
0x63: {  	s0 =	rddreg [dreg:$0x0];
	s2 =	stileid.u32  }
0x64: {  	s1 =	rddreg [dreg:$0x1];
	p0 =	sne.s32 s2, $0x0  }
0x65: {  	s3 =	rddreg [dreg:$0x2];
	[bflag:$0x3] =	sbarrier.arrive $0xFFFF;
	s2 =	simm.s32 @!p0 $0x1C02  }
0x66: {  	[timem:s3], [sflag:s2] =	dma.local @!p0 [hbm:s0], s1  }
0x67: {  	s0 =	simm.s32 @!p0 $0x2  }
0x68: {  	_ =	swait.ge @!p0 [sflag:s0], s1  }
0x69: {  	s1 =	ssub.s32 @!p0 $0x0, s1;
	[sflag:s0] =	ssyncset.done @!p0 $0x0  }
0x6a: {  	[sflag:s0] =	ssyncadd.s32 @!p0 s1  }
0x6b: {  	[bflag:$0x3] =	sbarrier.arrive $0xFFFF  }
0x6c: {  	_ =	shalt  }

// kernel: kernel.13.cloned.1.call-start
scs
__scs_entry_jumppad:
0x0: {  	(pc) =	sbr.rel $0x88, $3  }
0x1: {  	(tag) =	ssettag $0x0;
	lr =	simm.s32 $0x1  }
0x2: {  	[smem:$0x3F91] =	sst lr;
	_ =	strace $0xD0000000  }
0x3: {  	_ = 	snop  }
0x4: {  	_ = 	snop  }
0x5: {  	_ = 	snop  }
0x6: {  	_ = 	snop  }
0x7: {  	_ = 	snop  }
__scs_overlays_trampoline_lowered:
0x8: {  	[smem:$0x3FA0] =	sst s0  }
0x9: {  	[smem:$0x3FA1] =	sst s1  }
0xa: {  	[smem:$0x3FA2] =	sst s2  }
0xb: {  	[smem:$0x3FA3] =	sst s3  }
0xc: {  	[smem:$0x3FA4] =	sst s4  }
0xd: {  	[smem:$0x3FA5] =	sst s5  }
0xe: {  	[smem:$0x3FA6] =	sst s6  }
0xf: {  	[smem:$0x3FA7] =	sst s7  }
0x10: {  	[smem:$0x3FA8] =	sst s8  }
0x11: {  	[smem:$0x3FA9] =	sst s9;
	s0 =	simm.s32 @!p0 $0x0  }
0x12: {  	s1 =	sld [smem:$0x3F8F];
	s0 =	simm.s32 @p0 $0x1  }
0x13: {  	[smem:$0x3FAA] =	sst s0;
	s0 =	simm.s32 @!p1 $0x0  }
0x14: {  	s2 =	sld [smem:$0x3F8E];
	s0 =	simm.s32 @p1 $0x1  }
0x15: {  	[smem:$0x3FAB] =	sst s0;
	s0 =	simm.s32 @!p2 $0x0  }
0x16: {  	s3 =	sld [smem:$0x3FDB];
	s0 =	simm.s32 @p2 $0x1  }
0x17: {  	s4 =	simm.s32 $0x1BF5;
	[smem:$0x3FAD] =	sst s0  }
0x18: {  	s0 =	sld [smem:$0x3F90];
	_ =	swait.ge [sflag:s4], $0x0  }
0x19: {  	s7 =	sld [smem:$0x3F91]  }
0x1a: {  	s8 =	sadd.s32 $0xFFFFE003, lr  }
0x1b: {  	s9 =	sadd.s32 $0xFFFFFEF7, lr;
	s5 =	simm.s32 $0xFFFFFFFF;
	p2 =	slt.u32 s8, $0xFFFFF086  }
0x1c: {  	p1 =	slt.u32 s9, $0xF7A;
	s5 =	simm.s32 @!p2 $0x0  }
0x1d: {  	s5 =	simm.s32 @p1 $0x1;
	p0 =	seq.s32 s7, s2  }
0x1e: {  	s7 =	smul.u32 @!p0 $0xF7A, s2;
	p2 =	seq.s32 @!p0 s5, $0x0  }
0x1f: {  	s9 =	smul.u32 $0xF7A, s1;
	s8 =	simm.s32 @!p0 $0x1BF5;
	p2 =	por !p2, p0  }
0x20: {  	[sflag:s8] =	ssyncset.s32 @!p0 $0xFFFFF086;
	s6 =	sadd.s32 @!p0 s3, s7;
	s7 =	simm.s32 @!p0 $0x108  }
0x21: {  	s3 =	sadd.s32 s3, s9;
	s6 =	sadd.s32 @!p0 $0x88, s6;
	s7 =	simm.s32 @p2 $0x1082  }
0x22: {  	[simem:s7], [sflag:s8] =	dma.local @!p0 [hbm:s6], $0xF7A  }
0x23: {  	s9 =	sor.u32 $0xD0000000, s2;
	s6 =	simm.s32 $0x108;
	_ =	swait.ge @!p0 [sflag:s8], $0x0  }
0x24: {  	s3 =	sadd.s32 $0x88, s3;
	s6 =	simm.s32 @!p1 $0x1082;
	[sflag:s4] =	ssyncset.s32 $0xFFFFF086  }
0x25: {  	[simem:s6], [sflag:s4] =	dma.local [hbm:s3], $0xF7A  }
0x26: {  	[smem:$0x3F91] =	sst s1;
	(tag) =	ssettag s2;
	_ =	strace s9  }
0x27: {  	s1 =	sld [smem:$0x3FA1]  }
0x28: {  	s2 =	sld [smem:$0x3FA2]  }
0x29: {  	s4 =	sld [smem:$0x3FA4]  }
0x2a: {  	p0 =	seq.s32 s5, $0x0;
	s5 =	sld [smem:$0x3FA5]  }
0x2b: {  	s6 =	sld [smem:$0x3FA6]  }
0x2c: {  	s7 =	sld [smem:$0x3FA7]  }
0x2d: {  	s3 =	simm.s32 $0x108;
	s8 =	sld [smem:$0x3FA8]  }
0x2e: {  	s3 =	simm.s32 @!p0 $0x1082;
	s9 =	sld [smem:$0x3FA9]  }
0x2f: {  	lr =	sadd.s32 s0, s3;
	s0 =	sld [smem:$0x3FA0]  }
0x30: {  	s3 =	sld [smem:$0x3FA3]  }
0x31: {  	[smem:$0x3FAC] =	sst s10  }
0x32: {  	s10 =	sld [smem:$0x3FAA];
	_ =	sdelay $0x3  }
0x33: {  	p0 =	seq.s32 s10, $0x1;
	s10 =	sld [smem:$0x3FAC];
	_ =	sdelay $0x3  }
0x34: {  	[smem:$0x3FAC] =	sst s10  }
0x35: {  	s10 =	sld [smem:$0x3FAB];
	_ =	sdelay $0x3  }
0x36: {  	p1 =	seq.s32 s10, $0x1;
	s10 =	sld [smem:$0x3FAC];
	_ =	sdelay $0x3  }
0x37: {  	[smem:$0x3FAC] =	sst s10  }
0x38: {  	s10 =	sld [smem:$0x3FAD]  }
0x39: {  	_ = 	snop;
	(pc) =	sbr.ind lr, $3  }
0x3a: {  	_ = 	snop  }
0x3b: {  	_ = 	snop  }
0x3c: {  	p2 =	seq.s32 s10, $0x1;
	s10 =	sld [smem:$0x3FAC]  }
0x3d: {  	_ =	shalt  }
0x3e: {  	_ =	shalt  }
0x3f: {  	_ =	shalt  }
0x40: {  	_ =	shalt  }
0x41: {  	_ =	shalt  }
0x42: {  	_ =	shalt  }
0x43: {  	_ =	shalt  }
0x44: {  	_ =	shalt  }
0x45: {  	_ =	shalt  }
0x46: {  	_ =	shalt  }
0x47: {  	_ =	shalt  }
0x48: {  	_ =	shalt  }
0x49: {  	_ =	shalt  }
0x4a: {  	_ =	shalt  }
0x4b: {  	_ =	shalt  }
0x4c: {  	_ =	shalt  }
0x4d: {  	_ =	shalt  }
0x4e: {  	_ =	shalt  }
0x4f: {  	_ =	shalt  }
0x50: {  	_ =	shalt  }
0x51: {  	_ =	shalt  }
0x52: {  	_ =	shalt  }
0x53: {  	_ =	shalt  }
0x54: {  	_ =	shalt  }
0x55: {  	_ =	shalt  }
0x56: {  	_ =	shalt  }
0x57: {  	_ =	shalt  }
0x58: {  	_ =	shalt  }
0x59: {  	_ =	shalt  }
0x5a: {  	_ =	shalt  }
0x5b: {  	_ =	shalt  }
0x5c: {  	_ =	shalt  }
0x5d: {  	_ =	shalt  }
0x5e: {  	_ =	shalt  }
0x5f: {  	_ =	shalt  }
0x60: {  	_ =	shalt  }
0x61: {  	_ =	shalt  }
0x62: {  	_ =	shalt  }
0x63: {  	_ =	shalt  }
0x64: {  	_ =	shalt  }
0x65: {  	_ =	shalt  }
0x66: {  	_ =	shalt  }
0x67: {  	_ =	shalt  }
0x68: {  	_ =	shalt  }
0x69: {  	_ =	shalt  }
0x6a: {  	_ =	shalt  }
0x6b: {  	_ =	shalt  }
0x6c: {  	_ =	shalt  }
0x6d: {  	_ =	shalt  }
0x6e: {  	_ =	shalt  }
0x6f: {  	_ =	shalt  }
0x70: {  	_ =	shalt  }
0x71: {  	_ =	shalt  }
0x72: {  	_ =	shalt  }
0x73: {  	_ =	shalt  }
0x74: {  	_ =	shalt  }
0x75: {  	_ =	shalt  }
0x76: {  	_ =	shalt  }
0x77: {  	_ =	shalt  }
0x78: {  	_ =	shalt  }
0x79: {  	_ =	shalt  }
0x7a: {  	_ =	shalt  }
0x7b: {  	_ =	shalt  }
0x7c: {  	_ =	shalt  }
0x7d: {  	_ =	shalt  }
0x7e: {  	_ =	shalt  }
0x7f: {  	_ =	shalt  }
0x80: {  	_ =	shalt  }
0x81: {  	_ =	shalt  }
0x82: {  	_ =	shalt  }
0x83: {  	_ =	shalt  }
0x84: {  	_ =	shalt  }
0x85: {  	_ =	shalt  }
0x86: {  	_ =	shalt  }
0x87: {  	_ =	shalt  }
.Lfunc_end0:
.L_simem_size_0:
called_computation.1_lowered:
.L_overlay_start_0:
0x88: {  	s2 =	sld [smem:$0x3FD9]  }
0x89: {  	s3 =	sld [smem:$0x3FFE];
	_ =	sdelay $0x1  }
0x8a: {  	s1 =	srdreg.scid  }
0x8b: {  	s0 =	sand.u32 $0x1, s1  }
0x8c: {  	s16 =	sshll.u32 s0, $0xA;
	s2 =	sadd.s32 s3, s2  }
0x8d: {  	s2 =	sadd.s32 s2, s16  }
0x8e: {  	[smem:$0x3FB8] =	sst s2  }
0x8f: {  	_ = 	snop  }
0x90: {  	(tm) =	ssettm $0x1  }
0x91: {  	s17 =	sld [smem:$0x3FFB];
	_ =	sdelay $0x3  }
0x92: {  	_ =	strace s17  }
0x93: {  	s2 =	sld [smem:$0x3FFC];
	_ =	sdelay $0x3  }
0x94: {  	_ =	strace s2  }
0x95: {  	s2 =	sld [smem:$0x3FFD];
	_ =	sdelay $0x3  }
0x96: {  	_ =	strace s2  }
0x97: {  	_ =	strace $0x8FFFFFFF  }
0x98: {  	s18 =	sld [smem:$0x3FDB];
	_ =	sdelay $0x1  }
0x99: {  	s19 =	simm.s32 $_scs_section_size  }
0x9a: {  	s4 =	simm.s32 $_size__tile_overlayer_lowered;
	s5 =	simm.s32 $_tile_overlayer_lowered  }
0x9b: {  	s22 =	simm.s32 $0x1BFF;
	s21 =	sshll.u32 s5, $0x1;
	s2 =	sadd.s32 s19, s18  }
0x9c: {  	s6 =	simm.s32 $0x0;
	s20 =	sshll.u32 s4, $0x1;
	s4 =	sadd.s32 s21, s2  }
0x9d: {  	[timem:s6], [sflag:s22] =	dma.local [hbm:s4], s20  }
0x9e: {  	_ =	swait.ge [sflag:s22], s20  }
0x9f: {  	s3 =	ssub.s32 $0x0, s20;
	[sflag:s22] =	ssyncset.done $0x0  }
0xa0: {  	[sflag:s22] =	ssyncadd.s32 s3;
	_ =	sdelay $0x1  }
0xa1: {  	s23 =	simm.s32 $0x1B8B  }
0xa2: {  	_ =	swait.ge [sflag:s23], $0x1  }
0xa3: {  	[sflag:s23] =	ssyncset.done $0x0  }
0xa4: {  	s25 =	simm.s32 $0x1B8E;
	s24 =	sld [smem:$0x3FFE];
	[sflag:s23] =	ssyncadd.s32 $0xFFFFFFFF  }
0xa5: {  	s26 =	simm.s32 $execute0_lowered;
	[smem:$0x3FD2] =	sst s25  }
0xa6: {  	s4 =	sshll.u32 s26, $0x1;
	_ =	strace $0x80000049;
	[dreg:$0x1] =	wrdreg $0xFFFFFFFF  }
0xa7: {  	s28 =	simm.s32 $_size_execute0_lowered;
	s2 =	sadd.s32 s2, s4;
	[dreg:$0x0] =	wrdreg $0x0  }
0xa8: {  	s4 =	sshll.u32 s28, $0x1;
	[dreg:$0x2] =	wrdreg s2  }
0xa9: {  	[dreg:$0x3] =	wrdreg s4  }
0xaa: {  	[dreg:$0x4] =	wrdreg $0xC0  }
0xab: {  	_ =	task [dreg:s6], $0x5FFFF  }
0xac: {  	[dreg:$0x1] =	wrdreg $0xFFFFFFFF  }
0xad: {  	[dreg:$0x0] =	wrdreg $0x60  }
0xae: {  	[dreg:$0x2] =	wrdreg s24  }
0xaf: {  	[dreg:$0x3] =	wrdreg $0x6F000  }
0xb0: {  	[dreg:$0x4] =	wrdreg $0x9  }
0xb1: {  	_ =	task.clear_ibuf [dreg:s6], $0x5FFFF;
	_ =	strace $0x90000049  }
0xb2: {  	s29 =	simm.s32 $0x9;
	_ =	strace $0x8000004B  }
0xb3: {  	_ =	swait.ge [sflag:s29], $0x1  }
0xb4: {  	[sflag:s29] =	ssyncadd.s32 $0xFFFFFFFF  }
0xb5: {  	_ =	strace $0x9000004B  }
0xb6: {  	_ =	sfence  }
0xb7: {  	s30 =	sld [smem:$0x0];
	_ =	sdelay $0x2  }
0xb8: {  	s31 =	sshll.u32 s1, $0xD;
	s1 =	sshrl.u32 s1, $0x2  }
0xb9: {  	s3 =	sand.u32 $0x4000, s31;
	s1 =	sadd.s32 s1, s30  }
0xba: {  	s0 =	sor.u32 s3, s0;
	s1 =	sshll.u32 s1, $0x11  }
0xbb: {  	s0 =	sor.u32 s1, s0  }
0xbc: {  	s0 =	sadd.s32 $0x8F2B, s0  }
0xbd: {  	[sflag:s0] =	ssyncadd.remote.s32 $0x1  }
0xbe: {  	_ =	sfence.sel $0xFFFF  }
0xbf: {  	[dreg:$0x0] =	wrdreg $0xFFFFFFFF;
	(pc) =	sbr.abs _section_cstart, $3  }
0xc0: {  	[dreg:$0x1] =	wrdreg $0xFFFFFFFF  }
0xc1: {  	_ =	task.clear_ibuf [dreg:s6], $0x2FFFF;
	_ =	strace $0x9FFFFFFF  }
0xc2: {  	(tm) =	ssettm $0x7FFFFFFF  }
0xc3: {  	_ =	shalt  }
tec
execute0_lowered:
.L_overlay_start_1:
0x0: {  	(tag) =	ssettag $0x1  }
0x1: {  	s5 =	rddreg [dreg:$0x0];
	s1 =	srdreg.scid  }
0x2: {  	s0 =	stileid.u32;
	s2 =	rddreg [dreg:$0x1]  }
0x3: {  	s3 =	simm.s32 $0x0;
	s18 =	simm.s32 $0x80;
	s19 =	simm.s32 $0x1  }
0x4: {  	s6 =	sand.u32 $0x1, s1;
	s4 =	sshll.u32 s0, $0x1;
	s1 =	rddreg [dreg:$0x2]  }
0x5: {  	[smem:$0x7FF] =	sst s3;
	s8 =	smul.u32 $0x28000, s0;
	s13 =	sadd.s32 $0x29E00, s5  }
0x6: {  	s14 =	smul.u32 $0x9C00, s0;
	s20 =	sadd.s32 $0x92400, s2;
	p0 =	seq.s32 s0, $0xF  }
0x7: {  	s4 =	sor.u32 s6, s4;
	_ =	strace $0x8000004A;
	s12 =	smul.u32 $0x9C400, s6  }
0x8: {  	s29 =	ssub.s32 $0x2, s6;
	s20 =	sshrl.u32 @p0 s20, $0x3;
	s7 =	smul.u32 $0x4F0, s4  }
0x9: {  	s4 =	sadd.s32 $0x2800, s5;
	s30 =	sshrl.u32 s8, $0x2;
	s31 =	sshrl.u32 s29, $0x1  }
0xa: {  	s21 =	sadd.s32 s14, s2;
	s15 =	ssub.s32 s29, s31;
	s16 =	sadd.s32 s14, s12  }
0xb: {  	s17 =	sshrl.u32 s12, $0x3;
	s21 =	sshrl.u32 @!p0 s21, $0x3;
	s11 =	sadd.s32 s7, s5  }
0xc: {  	s5 =	sadd.s32 s30, s2;
	s16 =	sshrl.u32 s16, $0x3;
	s14 =	smax.u32 s15, $0x1  }
0xd: {  	s15 =	simm.s32 $0x4F00;
	s6 =	sadd.s32 $0x2000, s5;
	s7 =	sadd.s32 $0x4000, s5  }
0xe: {  	s8 =	sadd.s32 $0x6000, s5;
	s9 =	sadd.s32 $0x8000, s5;
	s10 =	sadd.s32 $0x16200, s11  }
0xf: {  	s11 =	sadd.s32 $0x20000, s11;
	s12 =	sadd.s32 s13, s16;
	s13 =	sadd.s32 s13, s17  }
0x10: {  	v0 =	vimm.f32 $0.0e+00;
	s16 =	simm.s32 $0x2;
	s17 =	simm.s32 $0x2780;
	s13 =	sadd.s32 $0x12480, s13  }
.LBB2_1:
0x11: {  	s23 =	simm.s32 $0x100;
	s22 =	simm.s32 $0x0  }
.LBB2_2:
0x12: {  	p1 =	sne.s32 s23, $0x7F00;
	[tilespmem:s22+$0x4F30] =	vst v0;
	s24 =	smov.u32 s23;
	s23 =	sadd.s32 $0x100, s23  }
.Ltmp0:
0x13: {  	[tilespmem:s22+$0x4F20] =	vst v0;
	(pc) =	sbr.rel @p1 .LBB2_2-.Ltmp0, $3  }
0x14: {  	[tilespmem:s22+$0x4F00] =	vst v0  }
0x15: {  	[tilespmem:s22+$0x4F10] =	vst v0;
	_ =	sdelay $0x1  }
0x16: {  	s22 =	sshra.s32 s24, $0x2  }
0x17: {  	[tilespmem:s22+$0x4F30] =	vst v0  }
0x18: {  	[tilespmem:s22+$0x4F20] =	vst v0  }
0x19: {  	[tilespmem:s22+$0x4F00] =	vst v0  }
0x1a: {  	[tilespmem:s22+$0x4F10] =	vst v0  }
0x1b: {  	[spmem:s5] =	stream.linear.scatter [tilespmem:s15], [sflag:$0x2], $0x2000, $0x38;
	[tilespmem:$0x10F00] =	vst v63  }
0x1c: {  	_ =	swait.ge [sflag:s16], $0x2000  }
0x1d: {  	[sflag:s16] =	ssyncset.done $0x0  }
0x1e: {  	[sflag:s16] =	ssyncadd.s32 $0xFFFFE000  }
0x1f: {  	[spmem:s6] =	stream.linear.scatter [tilespmem:s15], [sflag:$0x2], $0x2000, $0x38;
	[tilespmem:$0x10F00] =	vst v63  }
0x20: {  	_ =	swait.ge [sflag:s16], $0x2000  }
0x21: {  	[sflag:s16] =	ssyncset.done $0x0  }
0x22: {  	[sflag:s16] =	ssyncadd.s32 $0xFFFFE000  }
0x23: {  	[spmem:s7] =	stream.linear.scatter [tilespmem:s15], [sflag:$0x2], $0x2000, $0x38;
	[tilespmem:$0x10F00] =	vst v63  }
0x24: {  	_ =	swait.ge [sflag:s16], $0x2000  }
0x25: {  	[sflag:s16] =	ssyncset.done $0x0  }
0x26: {  	[sflag:s16] =	ssyncadd.s32 $0xFFFFE000  }
0x27: {  	[spmem:s8] =	stream.linear.scatter [tilespmem:s15], [sflag:$0x2], $0x2000, $0x38;
	[tilespmem:$0x10F00] =	vst v63  }
0x28: {  	_ =	swait.ge [sflag:s16], $0x2000  }
0x29: {  	[sflag:s16] =	ssyncset.done $0x0  }
0x2a: {  	[sflag:s16] =	ssyncadd.s32 $0xFFFFE000  }
0x2b: {  	[spmem:s9] =	stream.linear.scatter [tilespmem:s15], [sflag:$0x2], $0x2000, $0x38;
	[tilespmem:$0x10F00] =	vst v63  }
0x2c: {  	_ =	swait.ge [sflag:s16], $0x2000  }
0x2d: {  	[sflag:s16] =	ssyncset.done $0x0  }
0x2e: {  	s29 =	simm.s32 $0x0;
	[sflag:s16] =	ssyncadd.s32 $0xFFFFE000  }
0x2f: {  	[tilespmem:s29], [sflag:$0x2] =	stream.linear.gather [hbm4b:s10+s29], $0x2780, $0x38;
	[tilespmem:$0x10F00] =	vst v63  }
0x30: {  	_ =	swait.ge [sflag:s16], $0x2780  }
0x31: {  	[sflag:s16] =	ssyncset.done $0x0  }
0x32: {  	[sflag:s16] =	ssyncadd.s32 $0xFFFFD880  }
0x33: {  	[tilespmem:s17], [sflag:$0x2] =	stream.linear.gather [hbm4b:s11+s29], $0x2780, $0x38;
	[tilespmem:$0x10F00] =	vst v63  }
0x34: {  	_ =	swait.ge [sflag:s16], $0x2780  }
0x35: {  	[sflag:s16] =	ssyncset.done $0x0  }
0x36: {  	[sflag:s16] =	ssyncadd.s32 $0xFFFFD880  }
0x37: {  	s30 =	simm.s32 $0x0;
	[bflag:$0x0] =	sbarrier.arrive $0xFFFF  }
0x38: {  	[tilespmem:s15], [sflag:$0x1] =	stream.indirect.gather [hbm4b:s4+s18], $0x40, s30, s18, $0xb8;
	[tilespmem:$0x10F00] =	vst v63  }
0x39: {  	_ =	swait.ge [sflag:s19], $0x2000  }
0x3a: {  	[sflag:s19] =	ssyncset.done $0x0  }
0x3b: {  	s31 =	simm.s32 $0x2780;
	[sflag:s19] =	ssyncadd.s32 $0xFFFFE000  }
0x3c: {  	[spmem:s2] =	stream.indirect.scatter.add.f32 [tilespmem:s15], [sflag:$0x2], $0x40, s31, s18, $0xb8;
	[tilespmem:$0x10F00] =	vst v63  }
0x3d: {  	_ =	swait.ge [sflag:s16], $0x2000  }
0x3e: {  	s22 =	simm.s32 $0x200;
	s23 =	simm.s32 $0x400;
	[sflag:s16] =	ssyncset.done $0x0  }
.LBB2_4:
0x3f: {  	s24 =	sshra.s32 s22, $0x2  }
0x40: {  	[sflag:s16] =	ssyncadd.s32 $0xFFFFE000;
	s22 =	smov.u32 s23;
	s25 =	sadd.s32 $0x200, s23  }
0x41: {  	[tilespmem:s15], [sflag:$0x1] =	stream.indirect.gather [hbm4b:s4+s18], $0x40, s24, s18, $0xb8;
	[tilespmem:$0x10F00] =	vst v63  }
0x42: {  	p1 =	sne.s32 s23, $0x9C00;
	_ =	swait.ge [sflag:s19], $0x2000  }
.Ltmp1:
0x43: {  	[sflag:s19] =	ssyncset.done $0x0;
	(pc) =	sbr.rel @p1 .LBB2_4-.Ltmp1, $4  }
0x44: {  	s23 =	sadd.s32 $0x2780, s24;
	[sflag:s19] =	ssyncadd.s32 $0xFFFFE000  }
0x45: {  	[spmem:s2] =	stream.indirect.scatter.add.f32 [tilespmem:s15], [sflag:$0x2], $0x40, s23, s18, $0xb8;
	[tilespmem:$0x10F00] =	vst v63  }
0x46: {  	_ =	swait.ge [sflag:s16], $0x2000  }
0x47: {  	s23 =	smov.u32 s25;
	[sflag:s16] =	ssyncset.done $0x0  }
0x48: {  	s22 =	sshra.s32 s22, $0x2;
	[sflag:s16] =	ssyncadd.s32 $0xFFFFE000  }
0x49: {  	[tilespmem:s15], [sflag:$0x1] =	stream.indirect.gather [hbm4b:s4+s18], $0x40, s22, s18, $0xb8;
	[tilespmem:$0x10F00] =	vst v63  }
0x4a: {  	_ =	swait.ge [sflag:s19], $0x2000  }
0x4b: {  	[sflag:s19] =	ssyncset.done $0x0  }
0x4c: {  	s22 =	sadd.s32 $0x2780, s22;
	[sflag:s19] =	ssyncadd.s32 $0xFFFFE000  }
0x4d: {  	[spmem:s2] =	stream.indirect.scatter.add.f32 [tilespmem:s15], [sflag:$0x2], $0x40, s22, s18, $0xb8;
	[tilespmem:$0x10F00] =	vst v63  }
0x4e: {  	_ =	swait.ge [sflag:s16], $0x2000  }
0x4f: {  	[sflag:s16] =	ssyncset.done $0x0  }
0x50: {  	[sflag:s16] =	ssyncadd.s32 $0xFFFFE000  }
0x51: {  	s22 =	simm.s32 @p0 $0x1FC2;
	[bflag:$0x0] =	sbarrier.arrive $0xFFFF  }
0x52: {  	[hbm:s13], [sflag:s22] =	dma.local @p0 [spmem:s20], $0x1400  }
0x53: {  	s22 =	simm.s32 @p0 $0x2  }
0x54: {  	_ =	swait.ge @p0 [sflag:s22], $0x1400  }
0x55: {  	s23 =	sshll.u32 @!p0 s0, $0x6;
	s3 =	sadd.s32 $0x1, s3;
	[sflag:s22] =	ssyncset.done @p0 $0x0  }
0x56: {  	p1 =	sne.s32 s3, s14;
	[sflag:s22] =	ssyncadd.s32 @p0 $0xFFFFEC00;
	s22 =	sor.u32 @!p0 $0x1C02, s23  }
0x57: {  	[hbm:s12], [sflag:s22] =	dma.local @!p0 [spmem:s21], $0x1380  }
.Ltmp2:
0x58: {  	_ = 	snop;
	(pc) =	sbr.rel @p1 .LBB2_1-.Ltmp2, $4  }
0x59: {  	s22 =	simm.s32 @!p0 $0x2  }
0x5a: {  	_ =	swait.ge @!p0 [sflag:s22], $0x1380  }
0x5b: {  	[sflag:s22] =	ssyncset.done @!p0 $0x0  }
0x5c: {  	[sflag:s22] =	ssyncadd.s32 @!p0 $0xFFFFEC80  }
0x5d: {  	_ =	sfence.sel $0x180000  }
0x5e: {  	[bflag:$0x0] =	sbarrier.arrive $0xFFFF  }
0x5f: {  	p0 =	sne.s32 s0, $0x0;
	_ =	strace $0x9000004A  }
0x60: {  	s0 =	sadd.s32 @!p0 $0x100000, s1;
	[bflag:$0x2] =	sbarrier.arrive $0xFFFF  }
0x61: {  	[sflag:s0] =	ssyncadd.tile.s32 @!p0 $0x1;
	_ =	shalt  }
.Lfunc_end2:
_tile_overlayer_lowered:
.L_overlay_start_2:
0x62: {  	(tag) =	ssettag $0x2  }
0x63: {  	s0 =	rddreg [dreg:$0x0];
	s2 =	stileid.u32  }
0x64: {  	s1 =	rddreg [dreg:$0x1];
	p0 =	sne.s32 s2, $0x0  }
0x65: {  	s3 =	rddreg [dreg:$0x2];
	[bflag:$0x3] =	sbarrier.arrive $0xFFFF;
	s2 =	simm.s32 @!p0 $0x1C02  }
0x66: {  	[timem:s3], [sflag:s2] =	dma.local @!p0 [hbm:s0], s1  }
0x67: {  	s0 =	simm.s32 @!p0 $0x2  }
0x68: {  	_ =	swait.ge @!p0 [sflag:s0], s1  }
0x69: {  	s1 =	ssub.s32 @!p0 $0x0, s1;
	[sflag:s0] =	ssyncset.done @!p0 $0x0  }
0x6a: {  	[sflag:s0] =	ssyncadd.s32 @!p0 s1  }
0x6b: {  	[bflag:$0x3] =	sbarrier.arrive $0xFFFF  }
0x6c: {  	_ =	shalt  }

// kernel: kernel.16.cloned.1.call-start
scs
__scs_entry_jumppad:
0x0: {  	(pc) =	sbr.rel $0x88, $3  }
0x1: {  	(tag) =	ssettag $0x0;
	lr =	simm.s32 $0x1  }
0x2: {  	[smem:$0x3F91] =	sst lr;
	_ =	strace $0xD0000000  }
0x3: {  	_ = 	snop  }
0x4: {  	_ = 	snop  }
0x5: {  	_ = 	snop  }
0x6: {  	_ = 	snop  }
0x7: {  	_ = 	snop  }
__scs_overlays_trampoline_lowered:
0x8: {  	[smem:$0x3FA0] =	sst s0  }
0x9: {  	[smem:$0x3FA1] =	sst s1  }
0xa: {  	[smem:$0x3FA2] =	sst s2  }
0xb: {  	[smem:$0x3FA3] =	sst s3  }
0xc: {  	[smem:$0x3FA4] =	sst s4  }
0xd: {  	[smem:$0x3FA5] =	sst s5  }
0xe: {  	[smem:$0x3FA6] =	sst s6  }
0xf: {  	[smem:$0x3FA7] =	sst s7  }
0x10: {  	[smem:$0x3FA8] =	sst s8  }
0x11: {  	[smem:$0x3FA9] =	sst s9;
	s0 =	simm.s32 @!p0 $0x0  }
0x12: {  	s1 =	sld [smem:$0x3F8F];
	s0 =	simm.s32 @p0 $0x1  }
0x13: {  	[smem:$0x3FAA] =	sst s0;
	s0 =	simm.s32 @!p1 $0x0  }
0x14: {  	s2 =	sld [smem:$0x3F8E];
	s0 =	simm.s32 @p1 $0x1  }
0x15: {  	[smem:$0x3FAB] =	sst s0;
	s0 =	simm.s32 @!p2 $0x0  }
0x16: {  	s3 =	sld [smem:$0x3FDB];
	s0 =	simm.s32 @p2 $0x1  }
0x17: {  	s4 =	simm.s32 $0x1BF5;
	[smem:$0x3FAD] =	sst s0  }
0x18: {  	s0 =	sld [smem:$0x3F90];
	_ =	swait.ge [sflag:s4], $0x0  }
0x19: {  	s7 =	sld [smem:$0x3F91]  }
0x1a: {  	s8 =	sadd.s32 $0xFFFFE003, lr  }
0x1b: {  	s9 =	sadd.s32 $0xFFFFFEF7, lr;
	s5 =	simm.s32 $0xFFFFFFFF;
	p2 =	slt.u32 s8, $0xFFFFF086  }
0x1c: {  	p1 =	slt.u32 s9, $0xF7A;
	s5 =	simm.s32 @!p2 $0x0  }
0x1d: {  	s5 =	simm.s32 @p1 $0x1;
	p0 =	seq.s32 s7, s2  }
0x1e: {  	s7 =	smul.u32 @!p0 $0xF7A, s2;
	p2 =	seq.s32 @!p0 s5, $0x0  }
0x1f: {  	s9 =	smul.u32 $0xF7A, s1;
	s8 =	simm.s32 @!p0 $0x1BF5;
	p2 =	por !p2, p0  }
0x20: {  	[sflag:s8] =	ssyncset.s32 @!p0 $0xFFFFF086;
	s6 =	sadd.s32 @!p0 s3, s7;
	s7 =	simm.s32 @!p0 $0x108  }
0x21: {  	s3 =	sadd.s32 s3, s9;
	s6 =	sadd.s32 @!p0 $0x88, s6;
	s7 =	simm.s32 @p2 $0x1082  }
0x22: {  	[simem:s7], [sflag:s8] =	dma.local @!p0 [hbm:s6], $0xF7A  }
0x23: {  	s9 =	sor.u32 $0xD0000000, s2;
	s6 =	simm.s32 $0x108;
	_ =	swait.ge @!p0 [sflag:s8], $0x0  }
0x24: {  	s3 =	sadd.s32 $0x88, s3;
	s6 =	simm.s32 @!p1 $0x1082;
	[sflag:s4] =	ssyncset.s32 $0xFFFFF086  }
0x25: {  	[simem:s6], [sflag:s4] =	dma.local [hbm:s3], $0xF7A  }
0x26: {  	[smem:$0x3F91] =	sst s1;
	(tag) =	ssettag s2;
	_ =	strace s9  }
0x27: {  	s1 =	sld [smem:$0x3FA1]  }
0x28: {  	s2 =	sld [smem:$0x3FA2]  }
0x29: {  	s4 =	sld [smem:$0x3FA4]  }
0x2a: {  	p0 =	seq.s32 s5, $0x0;
	s5 =	sld [smem:$0x3FA5]  }
0x2b: {  	s6 =	sld [smem:$0x3FA6]  }
0x2c: {  	s7 =	sld [smem:$0x3FA7]  }
0x2d: {  	s3 =	simm.s32 $0x108;
	s8 =	sld [smem:$0x3FA8]  }
0x2e: {  	s3 =	simm.s32 @!p0 $0x1082;
	s9 =	sld [smem:$0x3FA9]  }
0x2f: {  	lr =	sadd.s32 s0, s3;
	s0 =	sld [smem:$0x3FA0]  }
0x30: {  	s3 =	sld [smem:$0x3FA3]  }
0x31: {  	[smem:$0x3FAC] =	sst s10  }
0x32: {  	s10 =	sld [smem:$0x3FAA];
	_ =	sdelay $0x3  }
0x33: {  	p0 =	seq.s32 s10, $0x1;
	s10 =	sld [smem:$0x3FAC];
	_ =	sdelay $0x3  }
0x34: {  	[smem:$0x3FAC] =	sst s10  }
0x35: {  	s10 =	sld [smem:$0x3FAB];
	_ =	sdelay $0x3  }
0x36: {  	p1 =	seq.s32 s10, $0x1;
	s10 =	sld [smem:$0x3FAC];
	_ =	sdelay $0x3  }
0x37: {  	[smem:$0x3FAC] =	sst s10  }
0x38: {  	s10 =	sld [smem:$0x3FAD]  }
0x39: {  	_ = 	snop;
	(pc) =	sbr.ind lr, $3  }
0x3a: {  	_ = 	snop  }
0x3b: {  	_ = 	snop  }
0x3c: {  	p2 =	seq.s32 s10, $0x1;
	s10 =	sld [smem:$0x3FAC]  }
0x3d: {  	_ =	shalt  }
0x3e: {  	_ =	shalt  }
0x3f: {  	_ =	shalt  }
0x40: {  	_ =	shalt  }
0x41: {  	_ =	shalt  }
0x42: {  	_ =	shalt  }
0x43: {  	_ =	shalt  }
0x44: {  	_ =	shalt  }
0x45: {  	_ =	shalt  }
0x46: {  	_ =	shalt  }
0x47: {  	_ =	shalt  }
0x48: {  	_ =	shalt  }
0x49: {  	_ =	shalt  }
0x4a: {  	_ =	shalt  }
0x4b: {  	_ =	shalt  }
0x4c: {  	_ =	shalt  }
0x4d: {  	_ =	shalt  }
0x4e: {  	_ =	shalt  }
0x4f: {  	_ =	shalt  }
0x50: {  	_ =	shalt  }
0x51: {  	_ =	shalt  }
0x52: {  	_ =	shalt  }
0x53: {  	_ =	shalt  }
0x54: {  	_ =	shalt  }
0x55: {  	_ =	shalt  }
0x56: {  	_ =	shalt  }
0x57: {  	_ =	shalt  }
0x58: {  	_ =	shalt  }
0x59: {  	_ =	shalt  }
0x5a: {  	_ =	shalt  }
0x5b: {  	_ =	shalt  }
0x5c: {  	_ =	shalt  }
0x5d: {  	_ =	shalt  }
0x5e: {  	_ =	shalt  }
0x5f: {  	_ =	shalt  }
0x60: {  	_ =	shalt  }
0x61: {  	_ =	shalt  }
0x62: {  	_ =	shalt  }
0x63: {  	_ =	shalt  }
0x64: {  	_ =	shalt  }
0x65: {  	_ =	shalt  }
0x66: {  	_ =	shalt  }
0x67: {  	_ =	shalt  }
0x68: {  	_ =	shalt  }
0x69: {  	_ =	shalt  }
0x6a: {  	_ =	shalt  }
0x6b: {  	_ =	shalt  }
0x6c: {  	_ =	shalt  }
0x6d: {  	_ =	shalt  }
0x6e: {  	_ =	shalt  }
0x6f: {  	_ =	shalt  }
0x70: {  	_ =	shalt  }
0x71: {  	_ =	shalt  }
0x72: {  	_ =	shalt  }
0x73: {  	_ =	shalt  }
0x74: {  	_ =	shalt  }
0x75: {  	_ =	shalt  }
0x76: {  	_ =	shalt  }
0x77: {  	_ =	shalt  }
0x78: {  	_ =	shalt  }
0x79: {  	_ =	shalt  }
0x7a: {  	_ =	shalt  }
0x7b: {  	_ =	shalt  }
0x7c: {  	_ =	shalt  }
0x7d: {  	_ =	shalt  }
0x7e: {  	_ =	shalt  }
0x7f: {  	_ =	shalt  }
0x80: {  	_ =	shalt  }
0x81: {  	_ =	shalt  }
0x82: {  	_ =	shalt  }
0x83: {  	_ =	shalt  }
0x84: {  	_ =	shalt  }
0x85: {  	_ =	shalt  }
0x86: {  	_ =	shalt  }
0x87: {  	_ =	shalt  }
.Lfunc_end0:
.L_simem_size_0:
called_computation.2_lowered:
.L_overlay_start_0:
0x88: {  	s2 =	sld [smem:$0x3FD9]  }
0x89: {  	s3 =	sld [smem:$0x3FFE];
	_ =	sdelay $0x1  }
0x8a: {  	s1 =	srdreg.scid  }
0x8b: {  	s0 =	sand.u32 $0x1, s1  }
0x8c: {  	s16 =	sshll.u32 s0, $0xA;
	s2 =	sadd.s32 s3, s2  }
0x8d: {  	s2 =	sadd.s32 s2, s16  }
0x8e: {  	[smem:$0x3FB8] =	sst s2  }
0x8f: {  	_ = 	snop  }
0x90: {  	(tm) =	ssettm $0x1  }
0x91: {  	s17 =	sld [smem:$0x3FFB];
	_ =	sdelay $0x3  }
0x92: {  	_ =	strace s17  }
0x93: {  	s2 =	sld [smem:$0x3FFC];
	_ =	sdelay $0x3  }
0x94: {  	_ =	strace s2  }
0x95: {  	s2 =	sld [smem:$0x3FFD];
	_ =	sdelay $0x3  }
0x96: {  	_ =	strace s2  }
0x97: {  	_ =	strace $0x8FFFFFFF  }
0x98: {  	s18 =	sld [smem:$0x3FDB];
	_ =	sdelay $0x1  }
0x99: {  	s19 =	simm.s32 $_scs_section_size  }
0x9a: {  	s4 =	simm.s32 $_size__tile_overlayer_lowered;
	s5 =	simm.s32 $_tile_overlayer_lowered  }
0x9b: {  	s22 =	simm.s32 $0x1BFF;
	s21 =	sshll.u32 s5, $0x1;
	s2 =	sadd.s32 s19, s18  }
0x9c: {  	s6 =	simm.s32 $0x0;
	s20 =	sshll.u32 s4, $0x1;
	s4 =	sadd.s32 s21, s2  }
0x9d: {  	[timem:s6], [sflag:s22] =	dma.local [hbm:s4], s20  }
0x9e: {  	_ =	swait.ge [sflag:s22], s20  }
0x9f: {  	s3 =	ssub.s32 $0x0, s20;
	[sflag:s22] =	ssyncset.done $0x0  }
0xa0: {  	[sflag:s22] =	ssyncadd.s32 s3;
	_ =	sdelay $0x1  }
0xa1: {  	s23 =	simm.s32 $0x1B8B  }
0xa2: {  	_ =	swait.ge [sflag:s23], $0x1  }
0xa3: {  	[sflag:s23] =	ssyncset.done $0x0  }
0xa4: {  	s25 =	simm.s32 $0x1B8E;
	s24 =	sld [smem:$0x3FFE];
	[sflag:s23] =	ssyncadd.s32 $0xFFFFFFFF  }
0xa5: {  	s26 =	simm.s32 $execute0_lowered;
	[smem:$0x3FD2] =	sst s25  }
0xa6: {  	s4 =	sshll.u32 s26, $0x1;
	_ =	strace $0x8000004C;
	[dreg:$0x1] =	wrdreg $0xFFFFFFFF  }
0xa7: {  	s28 =	simm.s32 $_size_execute0_lowered;
	s2 =	sadd.s32 s2, s4;
	[dreg:$0x0] =	wrdreg $0x0  }
0xa8: {  	s4 =	sshll.u32 s28, $0x1;
	[dreg:$0x2] =	wrdreg s2  }
0xa9: {  	[dreg:$0x3] =	wrdreg s4  }
0xaa: {  	[dreg:$0x4] =	wrdreg $0xC0  }
0xab: {  	_ =	task [dreg:s6], $0x5FFFF  }
0xac: {  	[dreg:$0x1] =	wrdreg $0xFFFFFFFF  }
0xad: {  	[dreg:$0x0] =	wrdreg $0x60  }
0xae: {  	[dreg:$0x2] =	wrdreg s24  }
0xaf: {  	[dreg:$0x3] =	wrdreg $0x6F000  }
0xb0: {  	[dreg:$0x4] =	wrdreg $0x9  }
0xb1: {  	_ =	task.clear_ibuf [dreg:s6], $0x5FFFF;
	_ =	strace $0x9000004C  }
0xb2: {  	s29 =	simm.s32 $0x9;
	_ =	strace $0x8000004E  }
0xb3: {  	_ =	swait.ge [sflag:s29], $0x1  }
0xb4: {  	[sflag:s29] =	ssyncadd.s32 $0xFFFFFFFF  }
0xb5: {  	_ =	strace $0x9000004E  }
0xb6: {  	_ =	sfence  }
0xb7: {  	s30 =	sld [smem:$0x0];
	_ =	sdelay $0x2  }
0xb8: {  	s31 =	sshll.u32 s1, $0xD;
	s1 =	sshrl.u32 s1, $0x2  }
0xb9: {  	s3 =	sand.u32 $0x4000, s31;
	s1 =	sadd.s32 s1, s30  }
0xba: {  	s0 =	sor.u32 s3, s0;
	s1 =	sshll.u32 s1, $0x11  }
0xbb: {  	s0 =	sor.u32 s1, s0  }
0xbc: {  	s0 =	sadd.s32 $0x8F2B, s0  }
0xbd: {  	[sflag:s0] =	ssyncadd.remote.s32 $0x1  }
0xbe: {  	_ =	sfence.sel $0xFFFF  }
0xbf: {  	[dreg:$0x0] =	wrdreg $0xFFFFFFFF;
	(pc) =	sbr.abs _section_cstart, $3  }
0xc0: {  	[dreg:$0x1] =	wrdreg $0xFFFFFFFF  }
0xc1: {  	_ =	task.clear_ibuf [dreg:s6], $0x2FFFF;
	_ =	strace $0x9FFFFFFF  }
0xc2: {  	(tm) =	ssettm $0x7FFFFFFF  }
0xc3: {  	_ =	shalt  }
tec
execute0_lowered:
.L_overlay_start_1:
0x0: {  	(tag) =	ssettag $0x1  }
0x1: {  	s5 =	rddreg [dreg:$0x0];
	s1 =	srdreg.scid  }
0x2: {  	s0 =	stileid.u32;
	s2 =	rddreg [dreg:$0x1]  }
0x3: {  	s3 =	simm.s32 $0x0;
	s18 =	simm.s32 $0x80;
	s19 =	simm.s32 $0x1  }
0x4: {  	s6 =	sand.u32 $0x1, s1;
	s4 =	sshll.u32 s0, $0x1;
	s1 =	rddreg [dreg:$0x2]  }
0x5: {  	[smem:$0x7FF] =	sst s3;
	s8 =	smul.u32 $0x28000, s0;
	s13 =	sadd.s32 $0x29E00, s5  }
0x6: {  	s14 =	smul.u32 $0x9C00, s0;
	s20 =	sadd.s32 $0x92400, s2;
	p0 =	seq.s32 s0, $0xF  }
0x7: {  	s4 =	sor.u32 s6, s4;
	_ =	strace $0x8000004D;
	s12 =	smul.u32 $0x9C400, s6  }
0x8: {  	s29 =	ssub.s32 $0x2, s6;
	s20 =	sshrl.u32 @p0 s20, $0x3;
	s7 =	smul.u32 $0x4F0, s4  }
0x9: {  	s4 =	sadd.s32 $0x2800, s5;
	s30 =	sshrl.u32 s8, $0x2;
	s31 =	sshrl.u32 s29, $0x1  }
0xa: {  	s21 =	sadd.s32 s14, s2;
	s15 =	ssub.s32 s29, s31;
	s16 =	sadd.s32 s14, s12  }
0xb: {  	s17 =	sshrl.u32 s12, $0x3;
	s21 =	sshrl.u32 @!p0 s21, $0x3;
	s11 =	sadd.s32 s7, s5  }
0xc: {  	s5 =	sadd.s32 s30, s2;
	s16 =	sshrl.u32 s16, $0x3;
	s14 =	smax.u32 s15, $0x1  }
0xd: {  	s15 =	simm.s32 $0x4F00;
	s6 =	sadd.s32 $0x2000, s5;
	s7 =	sadd.s32 $0x4000, s5  }
0xe: {  	s8 =	sadd.s32 $0x6000, s5;
	s9 =	sadd.s32 $0x8000, s5;
	s10 =	sadd.s32 $0x16200, s11  }
0xf: {  	s11 =	sadd.s32 $0x20000, s11;
	s12 =	sadd.s32 s13, s16;
	s13 =	sadd.s32 s13, s17  }
0x10: {  	v0 =	vimm.f32 $0.0e+00;
	s16 =	simm.s32 $0x2;
	s17 =	simm.s32 $0x2780;
	s13 =	sadd.s32 $0x12480, s13  }
.LBB2_1:
0x11: {  	s23 =	simm.s32 $0x100;
	s22 =	simm.s32 $0x0  }
.LBB2_2:
0x12: {  	p1 =	sne.s32 s23, $0x7F00;
	[tilespmem:s22+$0x4F30] =	vst v0;
	s24 =	smov.u32 s23;
	s23 =	sadd.s32 $0x100, s23  }
.Ltmp0:
0x13: {  	[tilespmem:s22+$0x4F20] =	vst v0;
	(pc) =	sbr.rel @p1 .LBB2_2-.Ltmp0, $3  }
0x14: {  	[tilespmem:s22+$0x4F00] =	vst v0  }
0x15: {  	[tilespmem:s22+$0x4F10] =	vst v0;
	_ =	sdelay $0x1  }
0x16: {  	s22 =	sshra.s32 s24, $0x2  }
0x17: {  	[tilespmem:s22+$0x4F30] =	vst v0  }
0x18: {  	[tilespmem:s22+$0x4F20] =	vst v0  }
0x19: {  	[tilespmem:s22+$0x4F00] =	vst v0  }
0x1a: {  	[tilespmem:s22+$0x4F10] =	vst v0  }
0x1b: {  	[spmem:s5] =	stream.linear.scatter [tilespmem:s15], [sflag:$0x2], $0x2000, $0x38;
	[tilespmem:$0x10F00] =	vst v63  }
0x1c: {  	_ =	swait.ge [sflag:s16], $0x2000  }
0x1d: {  	[sflag:s16] =	ssyncset.done $0x0  }
0x1e: {  	[sflag:s16] =	ssyncadd.s32 $0xFFFFE000  }
0x1f: {  	[spmem:s6] =	stream.linear.scatter [tilespmem:s15], [sflag:$0x2], $0x2000, $0x38;
	[tilespmem:$0x10F00] =	vst v63  }
0x20: {  	_ =	swait.ge [sflag:s16], $0x2000  }
0x21: {  	[sflag:s16] =	ssyncset.done $0x0  }
0x22: {  	[sflag:s16] =	ssyncadd.s32 $0xFFFFE000  }
0x23: {  	[spmem:s7] =	stream.linear.scatter [tilespmem:s15], [sflag:$0x2], $0x2000, $0x38;
	[tilespmem:$0x10F00] =	vst v63  }
0x24: {  	_ =	swait.ge [sflag:s16], $0x2000  }
0x25: {  	[sflag:s16] =	ssyncset.done $0x0  }
0x26: {  	[sflag:s16] =	ssyncadd.s32 $0xFFFFE000  }
0x27: {  	[spmem:s8] =	stream.linear.scatter [tilespmem:s15], [sflag:$0x2], $0x2000, $0x38;
	[tilespmem:$0x10F00] =	vst v63  }
0x28: {  	_ =	swait.ge [sflag:s16], $0x2000  }
0x29: {  	[sflag:s16] =	ssyncset.done $0x0  }
0x2a: {  	[sflag:s16] =	ssyncadd.s32 $0xFFFFE000  }
0x2b: {  	[spmem:s9] =	stream.linear.scatter [tilespmem:s15], [sflag:$0x2], $0x2000, $0x38;
	[tilespmem:$0x10F00] =	vst v63  }
0x2c: {  	_ =	swait.ge [sflag:s16], $0x2000  }
0x2d: {  	[sflag:s16] =	ssyncset.done $0x0  }
0x2e: {  	s29 =	simm.s32 $0x0;
	[sflag:s16] =	ssyncadd.s32 $0xFFFFE000  }
0x2f: {  	[tilespmem:s29], [sflag:$0x2] =	stream.linear.gather [hbm4b:s10+s29], $0x2780, $0x38;
	[tilespmem:$0x10F00] =	vst v63  }
0x30: {  	_ =	swait.ge [sflag:s16], $0x2780  }
0x31: {  	[sflag:s16] =	ssyncset.done $0x0  }
0x32: {  	[sflag:s16] =	ssyncadd.s32 $0xFFFFD880  }
0x33: {  	[tilespmem:s17], [sflag:$0x2] =	stream.linear.gather [hbm4b:s11+s29], $0x2780, $0x38;
	[tilespmem:$0x10F00] =	vst v63  }
0x34: {  	_ =	swait.ge [sflag:s16], $0x2780  }
0x35: {  	[sflag:s16] =	ssyncset.done $0x0  }
0x36: {  	[sflag:s16] =	ssyncadd.s32 $0xFFFFD880  }
0x37: {  	s30 =	simm.s32 $0x0;
	[bflag:$0x0] =	sbarrier.arrive $0xFFFF  }
0x38: {  	[tilespmem:s15], [sflag:$0x1] =	stream.indirect.gather [hbm4b:s4+s18], $0x40, s30, s18, $0xb8;
	[tilespmem:$0x10F00] =	vst v63  }
0x39: {  	_ =	swait.ge [sflag:s19], $0x2000  }
0x3a: {  	[sflag:s19] =	ssyncset.done $0x0  }
0x3b: {  	s31 =	simm.s32 $0x2780;
	[sflag:s19] =	ssyncadd.s32 $0xFFFFE000  }
0x3c: {  	[spmem:s2] =	stream.indirect.scatter.add.f32 [tilespmem:s15], [sflag:$0x2], $0x40, s31, s18, $0xb8;
	[tilespmem:$0x10F00] =	vst v63  }
0x3d: {  	_ =	swait.ge [sflag:s16], $0x2000  }
0x3e: {  	s22 =	simm.s32 $0x200;
	s23 =	simm.s32 $0x400;
	[sflag:s16] =	ssyncset.done $0x0  }
.LBB2_4:
0x3f: {  	s24 =	sshra.s32 s22, $0x2  }
0x40: {  	[sflag:s16] =	ssyncadd.s32 $0xFFFFE000;
	s22 =	smov.u32 s23;
	s25 =	sadd.s32 $0x200, s23  }
0x41: {  	[tilespmem:s15], [sflag:$0x1] =	stream.indirect.gather [hbm4b:s4+s18], $0x40, s24, s18, $0xb8;
	[tilespmem:$0x10F00] =	vst v63  }
0x42: {  	p1 =	sne.s32 s23, $0x9C00;
	_ =	swait.ge [sflag:s19], $0x2000  }
.Ltmp1:
0x43: {  	[sflag:s19] =	ssyncset.done $0x0;
	(pc) =	sbr.rel @p1 .LBB2_4-.Ltmp1, $4  }
0x44: {  	s23 =	sadd.s32 $0x2780, s24;
	[sflag:s19] =	ssyncadd.s32 $0xFFFFE000  }
0x45: {  	[spmem:s2] =	stream.indirect.scatter.add.f32 [tilespmem:s15], [sflag:$0x2], $0x40, s23, s18, $0xb8;
	[tilespmem:$0x10F00] =	vst v63  }
0x46: {  	_ =	swait.ge [sflag:s16], $0x2000  }
0x47: {  	s23 =	smov.u32 s25;
	[sflag:s16] =	ssyncset.done $0x0  }
0x48: {  	s22 =	sshra.s32 s22, $0x2;
	[sflag:s16] =	ssyncadd.s32 $0xFFFFE000  }
0x49: {  	[tilespmem:s15], [sflag:$0x1] =	stream.indirect.gather [hbm4b:s4+s18], $0x40, s22, s18, $0xb8;
	[tilespmem:$0x10F00] =	vst v63  }
0x4a: {  	_ =	swait.ge [sflag:s19], $0x2000  }
0x4b: {  	[sflag:s19] =	ssyncset.done $0x0  }
0x4c: {  	s22 =	sadd.s32 $0x2780, s22;
	[sflag:s19] =	ssyncadd.s32 $0xFFFFE000  }
0x4d: {  	[spmem:s2] =	stream.indirect.scatter.add.f32 [tilespmem:s15], [sflag:$0x2], $0x40, s22, s18, $0xb8;
	[tilespmem:$0x10F00] =	vst v63  }
0x4e: {  	_ =	swait.ge [sflag:s16], $0x2000  }
0x4f: {  	[sflag:s16] =	ssyncset.done $0x0  }
0x50: {  	[sflag:s16] =	ssyncadd.s32 $0xFFFFE000  }
0x51: {  	s22 =	simm.s32 @p0 $0x1FC2;
	[bflag:$0x0] =	sbarrier.arrive $0xFFFF  }
0x52: {  	[hbm:s13], [sflag:s22] =	dma.local @p0 [spmem:s20], $0x1400  }
0x53: {  	s22 =	simm.s32 @p0 $0x2  }
0x54: {  	_ =	swait.ge @p0 [sflag:s22], $0x1400  }
0x55: {  	s23 =	sshll.u32 @!p0 s0, $0x6;
	s3 =	sadd.s32 $0x1, s3;
	[sflag:s22] =	ssyncset.done @p0 $0x0  }
0x56: {  	p1 =	sne.s32 s3, s14;
	[sflag:s22] =	ssyncadd.s32 @p0 $0xFFFFEC00;
	s22 =	sor.u32 @!p0 $0x1C02, s23  }
0x57: {  	[hbm:s12], [sflag:s22] =	dma.local @!p0 [spmem:s21], $0x1380  }
.Ltmp2:
0x58: {  	_ = 	snop;
	(pc) =	sbr.rel @p1 .LBB2_1-.Ltmp2, $4  }
0x59: {  	s22 =	simm.s32 @!p0 $0x2  }
0x5a: {  	_ =	swait.ge @!p0 [sflag:s22], $0x1380  }
0x5b: {  	[sflag:s22] =	ssyncset.done @!p0 $0x0  }
0x5c: {  	[sflag:s22] =	ssyncadd.s32 @!p0 $0xFFFFEC80  }
0x5d: {  	_ =	sfence.sel $0x180000  }
0x5e: {  	[bflag:$0x0] =	sbarrier.arrive $0xFFFF  }
0x5f: {  	p0 =	sne.s32 s0, $0x0;
	_ =	strace $0x9000004D  }
0x60: {  	s0 =	sadd.s32 @!p0 $0x100000, s1;
	[bflag:$0x2] =	sbarrier.arrive $0xFFFF  }
0x61: {  	[sflag:s0] =	ssyncadd.tile.s32 @!p0 $0x1;
	_ =	shalt  }
.Lfunc_end2:
_tile_overlayer_lowered:
.L_overlay_start_2:
0x62: {  	(tag) =	ssettag $0x2  }
0x63: {  	s0 =	rddreg [dreg:$0x0];
	s2 =	stileid.u32  }
0x64: {  	s1 =	rddreg [dreg:$0x1];
	p0 =	sne.s32 s2, $0x0  }
0x65: {  	s3 =	rddreg [dreg:$0x2];
	[bflag:$0x3] =	sbarrier.arrive $0xFFFF;
	s2 =	simm.s32 @!p0 $0x1C02  }
0x66: {  	[timem:s3], [sflag:s2] =	dma.local @!p0 [hbm:s0], s1  }
0x67: {  	s0 =	simm.s32 @!p0 $0x2  }
0x68: {  	_ =	swait.ge @!p0 [sflag:s0], s1  }
0x69: {  	s1 =	ssub.s32 @!p0 $0x0, s1;
	[sflag:s0] =	ssyncset.done @!p0 $0x0  }
0x6a: {  	[sflag:s0] =	ssyncadd.s32 @!p0 s1  }
0x6b: {  	[bflag:$0x3] =	sbarrier.arrive $0xFFFF  }
0x6c: {  	_ =	shalt  }

</sc_bundles>
